<compile_context>
chip_gen: v7x
topology: tpu7x:2x2x1
jax: 0.10.2.dev20260603
libtpu: 0.0.44.dev20260713+nightly
codegen_flags: <defaults>
</compile_context>

<pallas_src>
import functools

import jax
import jax.numpy as jnp
from jax import lax
from jax.experimental import pallas as pl
from jax.experimental.pallas import tpu as pltpu
from jax.experimental.pallas import tpu_sc as plsc

_EPS = 1e-12


def _sc_gather(word_emb, ids_blocks):
    NW, NCHUNK, CL = ids_blocks.shape
    V, D = word_emb.shape
    N = NW * NCHUNK * CL

    info = plsc.get_sparse_core_info()
    NC = info.num_cores

    mesh = plsc.VectorSubcoreMesh(core_axis_name="c", subcore_axis_name="s")

    NBUF = 7
    assert NCHUNK >= NBUF

    @functools.partial(
        pl.kernel,
        mesh=mesh,
        out_type=jax.ShapeDtypeStruct((N, D), jnp.float32),
        scratch_types=(
            [pltpu.VMEM((NCHUNK, CL), jnp.int32)]
            + [pltpu.VMEM((CL, D), jnp.float32)] * NBUF
            + [pltpu.SemaphoreType.DMA] * (2 * NBUF)
        ),
    )
    def k(table_hbm, idx_hbm, out_hbm, idx_v, *scratch):
        bufs = scratch[:NBUF]
        gsems = scratch[NBUF : 2 * NBUF]
        ssems = scratch[2 * NBUF :]
        wid = lax.axis_index("s") * NC + lax.axis_index("c")
        base = wid * (NCHUNK * CL)
        pltpu.sync_copy(idx_hbm.at[wid], idx_v)

        def gather(j, b):
            pltpu.async_copy(table_hbm.at[idx_v.at[j]], bufs[b], gsems[b])

        def scatter(j, b):
            pltpu.async_copy(bufs[b], out_hbm.at[pl.ds(base + j * CL, CL)], ssems[b])

        def wait_s(b):
            pltpu.make_async_copy(bufs[b], out_hbm.at[pl.ds(base, CL)], ssems[b]).wait()

        def wait_g(b):
            pltpu.make_async_copy(table_hbm.at[idx_v.at[0]], bufs[b], gsems[b]).wait()

        DEPTH = NBUF - 1
        for j in range(DEPTH):
            gather(j, j)

        nouter = (NCHUNK + NBUF - 1) // NBUF

        def body(i, carry):
            for b in range(NBUF):
                j = NBUF * i + b
                kk = j + DEPTH
                t = (b + DEPTH) % NBUF

                @pl.when(j < NCHUNK)
                def _():
                    wait_g(b)
                    scatter(j, b)

                if b == 0:
                    @pl.when(i == 0)
                    def _():
                        gather(DEPTH, DEPTH)

                    @pl.when((i > 0) & (kk < NCHUNK))
                    def _():
                        wait_s(t)
                        gather(kk, t)
                else:
                    @pl.when(kk < NCHUNK)
                    def _():
                        wait_s(t)
                        gather(kk, t)
            return carry

        lax.fori_loop(0, nouter, body, 0)
        for b in range(NBUF):
            wait_s(b)

    return k(word_emb, ids_blocks)


def _tc_layernorm(gathered, pos_emb, type_emb, ts_emb, gamma, beta, block_b):
    B, L, D = gathered.shape

    def body(g_ref, pos_ref, type_ref, ts_ref, gamma_ref, beta_ref, out_ref):
        bias = pos_ref[...] + type_ref[0:1, :] + ts_ref[1:2, :]
        x = (g_ref[...] + bias[None, :, :]).reshape(block_b * L, D)
        ones = jnp.ones((D, D), jnp.bfloat16)
        dn = (((1,), (0,)), ((), ()))
        x_bf = x.astype(jnp.bfloat16)
        x2_bf = (x * x).astype(jnp.bfloat16)
        s1 = lax.dot_general(x_bf, ones, dn, preferred_element_type=jnp.float32)
        s2 = lax.dot_general(x2_bf, ones, dn, preferred_element_type=jnp.float32)
        mean = s1 * (1.0 / D)
        var = s2 * (1.0 / D) - mean * mean
        y = (x - mean) * lax.rsqrt(var + _EPS)
        out_ref[...] = (y * gamma_ref[...] + beta_ref[...]).reshape(block_b, L, D)

    return pl.pallas_call(
        body,
        grid=(B // block_b,),
        in_specs=[
            pl.BlockSpec((block_b, L, D), lambda i: (i, 0, 0)),
            pl.BlockSpec((L, D), lambda i: (0, 0)),
            pl.BlockSpec(type_emb.shape, lambda i: (0, 0)),
            pl.BlockSpec(ts_emb.shape, lambda i: (0, 0)),
            pl.BlockSpec((D,), lambda i: (0,)),
            pl.BlockSpec((D,), lambda i: (0,)),
        ],
        out_specs=pl.BlockSpec((block_b, L, D), lambda i: (i, 0, 0)),
        out_shape=jax.ShapeDtypeStruct((B, L, D), jnp.float32),
    )(gathered, pos_emb, type_emb, ts_emb, gamma, beta)


def kernel(input_ids, word_emb, pos_emb, type_emb, ts_emb, gamma, beta):
    B, L = input_ids.shape
    V, D = word_emb.shape
    NW = 32
    CL = 128
    K = 1
    Bs = B // K
    ns = Bs * L
    assert ns % (NW * CL) == 0
    nchunk = ns // (NW * CL)
    outs = []
    for k in range(K):
        ids_k = lax.slice_in_dim(input_ids, k * Bs, (k + 1) * Bs, axis=0)
        ids_blocks = ids_k.reshape(NW, nchunk, CL)
        gathered = _sc_gather(word_emb, ids_blocks).reshape(Bs, L, D)
        outs.append(
            _tc_layernorm(gathered, pos_emb, type_emb, ts_emb, gamma, beta, block_b=64)
        )
    return jnp.concatenate(outs, axis=0) if K > 1 else outs[0]

# --- scband reference (transcript-rebuilt; emitter-appended) ---
"""Pipeline reference for scband-bert-embeddings-54975581389488 (READ-ONLY COPY).

The authoritative reference and input builder live on the scoring server;
editing this copy changes nothing except your own understanding.
"""

import jax, jax.numpy as jnp
import numpy as np

VOCAB = 100000
HIDDEN = 128
MAX_POS = 512
TYPE_VOCAB = 2
TS_VOCAB = 4
EPS = 1e-12
B, L = 1024, 200


def setup_inputs(seed: int = 0) -> dict:
    key = jax.random.key(seed)
    ks = jax.random.split(key, 8)
    input_ids = jax.random.randint(ks[0], (B, L), 0, VOCAB, dtype=jnp.int64 if jax.config.jax_enable_x64 else jnp.int32).astype(jnp.int32)
    word_emb = jax.random.normal(ks[1], (VOCAB, HIDDEN), dtype=jnp.float32) * 0.02
    pos_emb = jax.random.normal(ks[2], (MAX_POS, HIDDEN), dtype=jnp.float32) * 0.02
    type_emb = jax.random.normal(ks[3], (TYPE_VOCAB, HIDDEN), dtype=jnp.float32) * 0.02
    ts_emb = jax.random.normal(ks[4], (TS_VOCAB, HIDDEN), dtype=jnp.float32) * 0.02
    gamma = jnp.ones((HIDDEN,), dtype=jnp.float32)
    beta = jnp.zeros((HIDDEN,), dtype=jnp.float32)
    return {"input_ids": input_ids, "word_emb": word_emb, "pos_emb": pos_emb, "type_emb": type_emb, "ts_emb": ts_emb, "gamma": gamma, "beta": beta}


def reference(input_ids, word_emb, pos_emb, type_emb, ts_emb, gamma, beta):
    seq_length = input_ids.shape[1]
    position_ids = jnp.arange(seq_length, dtype=jnp.int32)[None, :]
    token_type_ids = jnp.zeros(input_ids.shape, dtype=jnp.int32)
    timestep_type_ids = jnp.ones(input_ids.shape, dtype=jnp.int32)
    inputs_embeds = jnp.take(word_emb, input_ids, axis=0)
    position_embeddings = jnp.take(pos_emb, position_ids, axis=0)
    token_type_embeddings = jnp.take(type_emb, token_type_ids, axis=0)
    timestep_type_embeddings = jnp.take(ts_emb, timestep_type_ids, axis=0)
    embeddings = inputs_embeds + position_embeddings + token_type_embeddings + timestep_type_embeddings
    mean = jnp.mean(embeddings, axis=-1, keepdims=True)
    var = jnp.mean(jnp.square(embeddings - mean), axis=-1, keepdims=True)
    normed = (embeddings - mean) / jnp.sqrt(var + EPS)
    out = normed * gamma + beta
    # dropout is identity in eval mode
    return out

if __name__ == "__main__":
    import jax
    _d = setup_inputs()
    print(jax.jit(kernel)(*tuple(_d.values())))

</pallas_src>

<mosaic_0001>
#map = affine_map<(d0, d1) -> (0, 0)>
#map1 = affine_map<(d0, d1) -> (0, 0, 0)>
module attributes {stable_mosaic.version = 14 : i64} {
  func.func @k(%arg0: i32, %arg1: i32, %arg2: memref<100000x128xf32, #tpu.memory_space<hbm>>, %arg3: memref<32x50x128xi32, #tpu.memory_space<hbm>>, %arg4: memref<204800x128xf32, #tpu.memory_space<hbm>>, %arg5: memref<50x128xi32, #tpu.memory_space<vmem>>, %arg6: memref<128x128xf32, #tpu.memory_space<vmem>>, %arg7: memref<128x128xf32, #tpu.memory_space<vmem>>, %arg8: memref<128x128xf32, #tpu.memory_space<vmem>>, %arg9: memref<128x128xf32, #tpu.memory_space<vmem>>, %arg10: memref<128x128xf32, #tpu.memory_space<vmem>>, %arg11: memref<128x128xf32, #tpu.memory_space<vmem>>, %arg12: memref<128x128xf32, #tpu.memory_space<vmem>>, %arg13: memref<!tpu.dma_semaphore, #tpu.memory_space<semaphore_mem>>, %arg14: memref<!tpu.dma_semaphore, #tpu.memory_space<semaphore_mem>>, %arg15: memref<!tpu.dma_semaphore, #tpu.memory_space<semaphore_mem>>, %arg16: memref<!tpu.dma_semaphore, #tpu.memory_space<semaphore_mem>>, %arg17: memref<!tpu.dma_semaphore, #tpu.memory_space<semaphore_mem>>, %arg18: memref<!tpu.dma_semaphore, #tpu.memory_space<semaphore_mem>>, %arg19: memref<!tpu.dma_semaphore, #tpu.memory_space<semaphore_mem>>, %arg20: memref<!tpu.dma_semaphore, #tpu.memory_space<semaphore_mem>>, %arg21: memref<!tpu.dma_semaphore, #tpu.memory_space<semaphore_mem>>, %arg22: memref<!tpu.dma_semaphore, #tpu.memory_space<semaphore_mem>>, %arg23: memref<!tpu.dma_semaphore, #tpu.memory_space<semaphore_mem>>, %arg24: memref<!tpu.dma_semaphore, #tpu.memory_space<semaphore_mem>>, %arg25: memref<!tpu.dma_semaphore, #tpu.memory_space<semaphore_mem>>, %arg26: memref<!tpu.dma_semaphore, #tpu.memory_space<semaphore_mem>>) attributes {dimension_semantics = [#tpu.dimension_semantics<core_parallel>, #tpu.dimension_semantics<subcore_parallel>], iteration_bounds = array<i64: 2, 16>, scalar_prefetch = 0 : i64, scratch_operands = 22 : i64, tpu.core_type = #tpu.core_type<sc_vector_subcore>, window_params = [{transform_indices = #map}, {transform_indices = #map1}, {transform_indices = #map}]} {
    %mul3A = arith.constant 2 : i32
    %mul3A_0 = arith.muli %arg1, %mul3A : i32
    %add3A = arith.addi %mul3A_0, %arg0 : i32
    %mul3A_1 = arith.constant 6400 : i32
    %mul3A_2 = arith.muli %add3A, %mul3A_1 : i32
    "tpu.region"() ({
      %run_scoped3A = tpu.sem_alloc : memref<!tpu.dma_semaphore, #tpu.memory_space<semaphore_mem>>
      %dma_start3A_76 = arith.constant 0 : i32
      %dma_start3A_77 = arith.constant 0 : i32
      %dma_start3A_78 = tpu.memref_slice %arg3[%add3A, %dma_start3A_76, %dma_start3A_77] : memref<32x50x128xi32, #tpu.memory_space<hbm>> -> memref<1x50x128xi32, #tpu.memory_space<hbm>>
      %dma_start3A_79 = tpu.memref_squeeze %dma_start3A_78 : memref<1x50x128xi32, #tpu.memory_space<hbm>> -> memref<50x128xi32, #tpu.memory_space<hbm>>
      %dma_start3A_80 = arith.constant 0 : i32
      %dma_start3A_81 = arith.constant 0 : i32
      %dma_start3A_82 = tpu.memref_slice %arg3[%add3A, %dma_start3A_80, %dma_start3A_81] : memref<32x50x128xi32, #tpu.memory_space<hbm>> -> memref<1x50x128xi32, #tpu.memory_space<hbm>>
      %dma_start3A_83 = tpu.memref_squeeze %dma_start3A_82 : memref<1x50x128xi32, #tpu.memory_space<hbm>> -> memref<50x128xi32, #tpu.memory_space<hbm>>
      tpu.enqueue_dma source(%dma_start3A_83 : memref<50x128xi32, #tpu.memory_space<hbm>>) target(%arg5 : memref<50x128xi32, #tpu.memory_space<vmem>>) target_semaphore(%run_scoped3A : memref<!tpu.dma_semaphore, #tpu.memory_space<semaphore_mem>>)
      %dma_wait3A_84 = arith.constant 0 : i32
      %dma_wait3A_85 = arith.constant 0 : i32
      %dma_wait3A_86 = tpu.memref_slice %arg3[%add3A, %dma_wait3A_84, %dma_wait3A_85] : memref<32x50x128xi32, #tpu.memory_space<hbm>> -> memref<1x50x128xi32, #tpu.memory_space<hbm>>
      %dma_wait3A_87 = tpu.memref_squeeze %dma_wait3A_86 : memref<1x50x128xi32, #tpu.memory_space<hbm>> -> memref<50x128xi32, #tpu.memory_space<hbm>>
      %dma_wait3A_88 = arith.constant 0 : i32
      %dma_wait3A_89 = arith.constant 0 : i32
      %dma_wait3A_90 = tpu.memref_slice %arg3[%add3A, %dma_wait3A_88, %dma_wait3A_89] : memref<32x50x128xi32, #tpu.memory_space<hbm>> -> memref<1x50x128xi32, #tpu.memory_space<hbm>>
      %dma_wait3A_91 = tpu.memref_squeeze %dma_wait3A_90 : memref<1x50x128xi32, #tpu.memory_space<hbm>> -> memref<50x128xi32, #tpu.memory_space<hbm>>
      tpu.wait_dma2 semaphore(%run_scoped3A : memref<!tpu.dma_semaphore, #tpu.memory_space<semaphore_mem>>) src(%dma_wait3A_91 : memref<50x128xi32, #tpu.memory_space<hbm>>) dst(%arg5 : memref<50x128xi32, #tpu.memory_space<vmem>>)
      tpu.yield
    }) : () -> ()
    %dma_start3A = arith.constant 0 : i32
    %dma_start3A_3 = arith.constant 0 : i32
    %dma_start3A_4 = tpu.memref_slice %arg5[%dma_start3A, %dma_start3A_3] : memref<50x128xi32, #tpu.memory_space<vmem>> -> memref<1x128xi32, #tpu.memory_space<vmem>>
    %dma_start3A_5 = tpu.memref_squeeze %dma_start3A_4 : memref<1x128xi32, #tpu.memory_space<vmem>> -> memref<128xi32, #tpu.memory_space<vmem>>
    %dma_start3A_6 = arith.constant 0 : i32
    %dma_start3A_7 = arith.constant 0 : i32
    %dma_start3A_8 = tpu.memref_slice %arg2[%dma_start3A_6, %dma_start3A_7] : memref<100000x128xf32, #tpu.memory_space<hbm>> -> memref<100000x128xf32, #tpu.memory_space<hbm>>
    tpu.enqueue_indirect_dma source(%dma_start3A_8 : memref<100000x128xf32, #tpu.memory_space<hbm>>) target(%arg6 : memref<128x128xf32, #tpu.memory_space<vmem>>) offsets(%dma_start3A_5 : memref<128xi32, #tpu.memory_space<vmem>>) semaphore(%arg13 : memref<!tpu.dma_semaphore, #tpu.memory_space<semaphore_mem>>)
    %dma_start3A_9 = arith.constant 1 : i32
    %dma_start3A_10 = arith.constant 0 : i32
    %dma_start3A_11 = tpu.memref_slice %arg5[%dma_start3A_9, %dma_start3A_10] : memref<50x128xi32, #tpu.memory_space<vmem>> -> memref<1x128xi32, #tpu.memory_space<vmem>>
    %dma_start3A_12 = tpu.memref_squeeze %dma_start3A_11 : memref<1x128xi32, #tpu.memory_space<vmem>> -> memref<128xi32, #tpu.memory_space<vmem>>
    %dma_start3A_13 = arith.constant 0 : i32
    %dma_start3A_14 = arith.constant 0 : i32
    %dma_start3A_15 = tpu.memref_slice %arg2[%dma_start3A_13, %dma_start3A_14] : memref<100000x128xf32, #tpu.memory_space<hbm>> -> memref<100000x128xf32, #tpu.memory_space<hbm>>
    tpu.enqueue_indirect_dma source(%dma_start3A_15 : memref<100000x128xf32, #tpu.memory_space<hbm>>) target(%arg7 : memref<128x128xf32, #tpu.memory_space<vmem>>) offsets(%dma_start3A_12 : memref<128xi32, #tpu.memory_space<vmem>>) semaphore(%arg14 : memref<!tpu.dma_semaphore, #tpu.memory_space<semaphore_mem>>)
    %dma_start3A_16 = arith.constant 2 : i32
    %dma_start3A_17 = arith.constant 0 : i32
    %dma_start3A_18 = tpu.memref_slice %arg5[%dma_start3A_16, %dma_start3A_17] : memref<50x128xi32, #tpu.memory_space<vmem>> -> memref<1x128xi32, #tpu.memory_space<vmem>>
    %dma_start3A_19 = tpu.memref_squeeze %dma_start3A_18 : memref<1x128xi32, #tpu.memory_space<vmem>> -> memref<128xi32, #tpu.memory_space<vmem>>
    %dma_start3A_20 = arith.constant 0 : i32
    %dma_start3A_21 = arith.constant 0 : i32
    %dma_start3A_22 = tpu.memref_slice %arg2[%dma_start3A_20, %dma_start3A_21] : memref<100000x128xf32, #tpu.memory_space<hbm>> -> memref<100000x128xf32, #tpu.memory_space<hbm>>
    tpu.enqueue_indirect_dma source(%dma_start3A_22 : memref<100000x128xf32, #tpu.memory_space<hbm>>) target(%arg8 : memref<128x128xf32, #tpu.memory_space<vmem>>) offsets(%dma_start3A_19 : memref<128xi32, #tpu.memory_space<vmem>>) semaphore(%arg15 : memref<!tpu.dma_semaphore, #tpu.memory_space<semaphore_mem>>)
    %dma_start3A_23 = arith.constant 3 : i32
    %dma_start3A_24 = arith.constant 0 : i32
    %dma_start3A_25 = tpu.memref_slice %arg5[%dma_start3A_23, %dma_start3A_24] : memref<50x128xi32, #tpu.memory_space<vmem>> -> memref<1x128xi32, #tpu.memory_space<vmem>>
    %dma_start3A_26 = tpu.memref_squeeze %dma_start3A_25 : memref<1x128xi32, #tpu.memory_space<vmem>> -> memref<128xi32, #tpu.memory_space<vmem>>
    %dma_start3A_27 = arith.constant 0 : i32
    %dma_start3A_28 = arith.constant 0 : i32
    %dma_start3A_29 = tpu.memref_slice %arg2[%dma_start3A_27, %dma_start3A_28] : memref<100000x128xf32, #tpu.memory_space<hbm>> -> memref<100000x128xf32, #tpu.memory_space<hbm>>
    tpu.enqueue_indirect_dma source(%dma_start3A_29 : memref<100000x128xf32, #tpu.memory_space<hbm>>) target(%arg9 : memref<128x128xf32, #tpu.memory_space<vmem>>) offsets(%dma_start3A_26 : memref<128xi32, #tpu.memory_space<vmem>>) semaphore(%arg16 : memref<!tpu.dma_semaphore, #tpu.memory_space<semaphore_mem>>)
    %dma_start3A_30 = arith.constant 4 : i32
    %dma_start3A_31 = arith.constant 0 : i32
    %dma_start3A_32 = tpu.memref_slice %arg5[%dma_start3A_30, %dma_start3A_31] : memref<50x128xi32, #tpu.memory_space<vmem>> -> memref<1x128xi32, #tpu.memory_space<vmem>>
    %dma_start3A_33 = tpu.memref_squeeze %dma_start3A_32 : memref<1x128xi32, #tpu.memory_space<vmem>> -> memref<128xi32, #tpu.memory_space<vmem>>
    %dma_start3A_34 = arith.constant 0 : i32
    %dma_start3A_35 = arith.constant 0 : i32
    %dma_start3A_36 = tpu.memref_slice %arg2[%dma_start3A_34, %dma_start3A_35] : memref<100000x128xf32, #tpu.memory_space<hbm>> -> memref<100000x128xf32, #tpu.memory_space<hbm>>
    tpu.enqueue_indirect_dma source(%dma_start3A_36 : memref<100000x128xf32, #tpu.memory_space<hbm>>) target(%arg10 : memref<128x128xf32, #tpu.memory_space<vmem>>) offsets(%dma_start3A_33 : memref<128xi32, #tpu.memory_space<vmem>>) semaphore(%arg17 : memref<!tpu.dma_semaphore, #tpu.memory_space<semaphore_mem>>)
    %dma_start3A_37 = arith.constant 5 : i32
    %dma_start3A_38 = arith.constant 0 : i32
    %dma_start3A_39 = tpu.memref_slice %arg5[%dma_start3A_37, %dma_start3A_38] : memref<50x128xi32, #tpu.memory_space<vmem>> -> memref<1x128xi32, #tpu.memory_space<vmem>>
    %dma_start3A_40 = tpu.memref_squeeze %dma_start3A_39 : memref<1x128xi32, #tpu.memory_space<vmem>> -> memref<128xi32, #tpu.memory_space<vmem>>
    %dma_start3A_41 = arith.constant 0 : i32
    %dma_start3A_42 = arith.constant 0 : i32
    %dma_start3A_43 = tpu.memref_slice %arg2[%dma_start3A_41, %dma_start3A_42] : memref<100000x128xf32, #tpu.memory_space<hbm>> -> memref<100000x128xf32, #tpu.memory_space<hbm>>
    tpu.enqueue_indirect_dma source(%dma_start3A_43 : memref<100000x128xf32, #tpu.memory_space<hbm>>) target(%arg11 : memref<128x128xf32, #tpu.memory_space<vmem>>) offsets(%dma_start3A_40 : memref<128xi32, #tpu.memory_space<vmem>>) semaphore(%arg18 : memref<!tpu.dma_semaphore, #tpu.memory_space<semaphore_mem>>)
    %scan3A = arith.constant 0 : i32
    %scan3A_44 = arith.constant 0 : i32
    %scan3A_45 = arith.constant 8 : i32
    %scan3A_46 = arith.addi %scan3A_44, %scan3A_45 : i32
    %scan3A_47 = arith.constant 1 : i32
    scf.for %scan3A_76 = %scan3A_44 to %scan3A_46 step %scan3A_47  : i32 {
      %mul3A_77 = arith.constant 7 : i32
      %mul3A_78 = arith.muli %mul3A_77, %scan3A_76 : i32
      %add3A_79 = arith.constant 0 : i32
      %add3A_80 = arith.addi %mul3A_78, %add3A_79 : i32
      %add3A_81 = arith.constant 6 : i32
      %add3A_82 = arith.addi %add3A_80, %add3A_81 : i32
      %lt3A = arith.constant 50 : i32
      %lt3A_83 = arith.cmpi slt, %add3A_80, %lt3A : i32
      %convert_element_type3A = arith.extui %lt3A_83 : i1 to i32
      %cond3A = arith.constant 0 : i32
      %cond3A_84 = arith.cmpi ne, %convert_element_type3A, %cond3A : i32
      scf.if %cond3A_84 {
        %dma_wait3A_191 = arith.constant 0 : i32
        %dma_wait3A_192 = arith.constant 0 : i32
        %dma_wait3A_193 = tpu.memref_slice %arg5[%dma_wait3A_191, %dma_wait3A_192] : memref<50x128xi32, #tpu.memory_space<vmem>> -> memref<1x128xi32, #tpu.memory_space<vmem>>
        %dma_wait3A_194 = tpu.memref_squeeze %dma_wait3A_193 : memref<1x128xi32, #tpu.memory_space<vmem>> -> memref<128xi32, #tpu.memory_space<vmem>>
        %dma_wait3A_195 = arith.constant 0 : i32
        %dma_wait3A_196 = arith.constant 0 : i32
        %dma_wait3A_197 = tpu.memref_slice %arg2[%dma_wait3A_195, %dma_wait3A_196] : memref<100000x128xf32, #tpu.memory_space<hbm>> -> memref<100000x128xf32, #tpu.memory_space<hbm>>
        tpu.wait_indirect_dma semaphore(%arg13 : memref<!tpu.dma_semaphore, #tpu.memory_space<semaphore_mem>>) src(%dma_wait3A_197 : memref<100000x128xf32, #tpu.memory_space<hbm>>) dst(%arg6 : memref<128x128xf32, #tpu.memory_space<vmem>>)
        %mul3A_198 = arith.constant 128 : i32
        %mul3A_199 = arith.muli %add3A_80, %mul3A_198 : i32
        %add3A_200 = arith.addi %mul3A_2, %mul3A_199 : i32
        %dma_start3A_201 = arith.constant 0 : i32
        %dma_start3A_202 = tpu.memref_slice %arg4[%add3A_200, %dma_start3A_201] : memref<204800x128xf32, #tpu.memory_space<hbm>> -> memref<128x128xf32, #tpu.memory_space<hbm>>
        %dma_start3A_203 = arith.constant 0 : i32
        %dma_start3A_204 = tpu.memref_slice %arg4[%add3A_200, %dma_start3A_203] : memref<204800x128xf32, #tpu.memory_space<hbm>> -> memref<128x128xf32, #tpu.memory_space<hbm>>
        tpu.enqueue_dma source(%arg6 : memref<128x128xf32, #tpu.memory_space<vmem>>) target(%dma_start3A_204 : memref<128x128xf32, #tpu.memory_space<hbm>>) target_semaphore(%arg20 : memref<!tpu.dma_semaphore, #tpu.memory_space<semaphore_mem>>)
      } else {
      }
      %eq3A = arith.constant 0 : i32
      %eq3A_85 = arith.cmpi eq, %scan3A_76, %eq3A : i32
      %convert_element_type3A_86 = arith.extui %eq3A_85 : i1 to i32
      %cond3A_87 = arith.constant 0 : i32
      %cond3A_88 = arith.cmpi ne, %convert_element_type3A_86, %cond3A_87 : i32
      scf.if %cond3A_88 {
        %dma_start3A_191 = arith.constant 6 : i32
        %dma_start3A_192 = arith.constant 0 : i32
        %dma_start3A_193 = tpu.memref_slice %arg5[%dma_start3A_191, %dma_start3A_192] : memref<50x128xi32, #tpu.memory_space<vmem>> -> memref<1x128xi32, #tpu.memory_space<vmem>>
        %dma_start3A_194 = tpu.memref_squeeze %dma_start3A_193 : memref<1x128xi32, #tpu.memory_space<vmem>> -> memref<128xi32, #tpu.memory_space<vmem>>
        %dma_start3A_195 = arith.constant 0 : i32
        %dma_start3A_196 = arith.constant 0 : i32
        %dma_start3A_197 = tpu.memref_slice %arg2[%dma_start3A_195, %dma_start3A_196] : memref<100000x128xf32, #tpu.memory_space<hbm>> -> memref<100000x128xf32, #tpu.memory_space<hbm>>
        tpu.enqueue_indirect_dma source(%dma_start3A_197 : memref<100000x128xf32, #tpu.memory_space<hbm>>) target(%arg12 : memref<128x128xf32, #tpu.memory_space<vmem>>) offsets(%dma_start3A_194 : memref<128xi32, #tpu.memory_space<vmem>>) semaphore(%arg19 : memref<!tpu.dma_semaphore, #tpu.memory_space<semaphore_mem>>)
      } else {
      }
      %gt3A = arith.constant 0 : i32
      %gt3A_89 = arith.cmpi sgt, %scan3A_76, %gt3A : i32
      %lt3A_90 = arith.constant 50 : i32
      %lt3A_91 = arith.cmpi slt, %add3A_82, %lt3A_90 : i32
      %and3A = arith.andi %gt3A_89, %lt3A_91 : i1
      %convert_element_type3A_92 = arith.extui %and3A : i1 to i32
      %cond3A_93 = arith.constant 0 : i32
      %cond3A_94 = arith.cmpi ne, %convert_element_type3A_92, %cond3A_93 : i32
      scf.if %cond3A_94 {
        %dma_wait3A_191 = arith.constant 0 : i32
        %dma_wait3A_192 = tpu.memref_slice %arg4[%mul3A_2, %dma_wait3A_191] : memref<204800x128xf32, #tpu.memory_space<hbm>> -> memref<128x128xf32, #tpu.memory_space<hbm>>
        %dma_wait3A_193 = arith.constant 0 : i32
        %dma_wait3A_194 = tpu.memref_slice %arg4[%mul3A_2, %dma_wait3A_193] : memref<204800x128xf32, #tpu.memory_space<hbm>> -> memref<128x128xf32, #tpu.memory_space<hbm>>
        tpu.wait_dma2 semaphore(%arg26 : memref<!tpu.dma_semaphore, #tpu.memory_space<semaphore_mem>>) src(%arg12 : memref<128x128xf32, #tpu.memory_space<vmem>>) dst(%dma_wait3A_194 : memref<128x128xf32, #tpu.memory_space<hbm>>)
        %dma_start3A_195 = arith.constant 0 : i32
        %dma_start3A_196 = tpu.memref_slice %arg5[%add3A_82, %dma_start3A_195] : memref<50x128xi32, #tpu.memory_space<vmem>> -> memref<1x128xi32, #tpu.memory_space<vmem>>
        %dma_start3A_197 = tpu.memref_squeeze %dma_start3A_196 : memref<1x128xi32, #tpu.memory_space<vmem>> -> memref<128xi32, #tpu.memory_space<vmem>>
        %dma_start3A_198 = arith.constant 0 : i32
        %dma_start3A_199 = arith.constant 0 : i32
        %dma_start3A_200 = tpu.memref_slice %arg2[%dma_start3A_198, %dma_start3A_199] : memref<100000x128xf32, #tpu.memory_space<hbm>> -> memref<100000x128xf32, #tpu.memory_space<hbm>>
        tpu.enqueue_indirect_dma source(%dma_start3A_200 : memref<100000x128xf32, #tpu.memory_space<hbm>>) target(%arg12 : memref<128x128xf32, #tpu.memory_space<vmem>>) offsets(%dma_start3A_197 : memref<128xi32, #tpu.memory_space<vmem>>) semaphore(%arg19 : memref<!tpu.dma_semaphore, #tpu.memory_space<semaphore_mem>>)
      } else {
      }
      %mul3A_95 = arith.constant 7 : i32
      %mul3A_96 = arith.muli %mul3A_95, %scan3A_76 : i32
      %add3A_97 = arith.constant 1 : i32
      %add3A_98 = arith.addi %mul3A_96, %add3A_97 : i32
      %add3A_99 = arith.constant 6 : i32
      %add3A_100 = arith.addi %add3A_98, %add3A_99 : i32
      %lt3A_101 = arith.constant 50 : i32
      %lt3A_102 = arith.cmpi slt, %add3A_98, %lt3A_101 : i32
      %convert_element_type3A_103 = arith.extui %lt3A_102 : i1 to i32
      %cond3A_104 = arith.constant 0 : i32
      %cond3A_105 = arith.cmpi ne, %convert_element_type3A_103, %cond3A_104 : i32
      scf.if %cond3A_105 {
        %dma_wait3A_191 = arith.constant 0 : i32
        %dma_wait3A_192 = arith.constant 0 : i32
        %dma_wait3A_193 = tpu.memref_slice %arg5[%dma_wait3A_191, %dma_wait3A_192] : memref<50x128xi32, #tpu.memory_space<vmem>> -> memref<1x128xi32, #tpu.memory_space<vmem>>
        %dma_wait3A_194 = tpu.memref_squeeze %dma_wait3A_193 : memref<1x128xi32, #tpu.memory_space<vmem>> -> memref<128xi32, #tpu.memory_space<vmem>>
        %dma_wait3A_195 = arith.constant 0 : i32
        %dma_wait3A_196 = arith.constant 0 : i32
        %dma_wait3A_197 = tpu.memref_slice %arg2[%dma_wait3A_195, %dma_wait3A_196] : memref<100000x128xf32, #tpu.memory_space<hbm>> -> memref<100000x128xf32, #tpu.memory_space<hbm>>
        tpu.wait_indirect_dma semaphore(%arg14 : memref<!tpu.dma_semaphore, #tpu.memory_space<semaphore_mem>>) src(%dma_wait3A_197 : memref<100000x128xf32, #tpu.memory_space<hbm>>) dst(%arg7 : memref<128x128xf32, #tpu.memory_space<vmem>>)
        %mul3A_198 = arith.constant 128 : i32
        %mul3A_199 = arith.muli %add3A_98, %mul3A_198 : i32
        %add3A_200 = arith.addi %mul3A_2, %mul3A_199 : i32
        %dma_start3A_201 = arith.constant 0 : i32
        %dma_start3A_202 = tpu.memref_slice %arg4[%add3A_200, %dma_start3A_201] : memref<204800x128xf32, #tpu.memory_space<hbm>> -> memref<128x128xf32, #tpu.memory_space<hbm>>
        %dma_start3A_203 = arith.constant 0 : i32
        %dma_start3A_204 = tpu.memref_slice %arg4[%add3A_200, %dma_start3A_203] : memref<204800x128xf32, #tpu.memory_space<hbm>> -> memref<128x128xf32, #tpu.memory_space<hbm>>
        tpu.enqueue_dma source(%arg7 : memref<128x128xf32, #tpu.memory_space<vmem>>) target(%dma_start3A_204 : memref<128x128xf32, #tpu.memory_space<hbm>>) target_semaphore(%arg21 : memref<!tpu.dma_semaphore, #tpu.memory_space<semaphore_mem>>)
      } else {
      }
      %lt3A_106 = arith.constant 50 : i32
      %lt3A_107 = arith.cmpi slt, %add3A_100, %lt3A_106 : i32
      %convert_element_type3A_108 = arith.extui %lt3A_107 : i1 to i32
      %cond3A_109 = arith.constant 0 : i32
      %cond3A_110 = arith.cmpi ne, %convert_element_type3A_108, %cond3A_109 : i32
      scf.if %cond3A_110 {
        %dma_wait3A_191 = arith.constant 0 : i32
        %dma_wait3A_192 = tpu.memref_slice %arg4[%mul3A_2, %dma_wait3A_191] : memref<204800x128xf32, #tpu.memory_space<hbm>> -> memref<128x128xf32, #tpu.memory_space<hbm>>
        %dma_wait3A_193 = arith.constant 0 : i32
        %dma_wait3A_194 = tpu.memref_slice %arg4[%mul3A_2, %dma_wait3A_193] : memref<204800x128xf32, #tpu.memory_space<hbm>> -> memref<128x128xf32, #tpu.memory_space<hbm>>
        tpu.wait_dma2 semaphore(%arg20 : memref<!tpu.dma_semaphore, #tpu.memory_space<semaphore_mem>>) src(%arg6 : memref<128x128xf32, #tpu.memory_space<vmem>>) dst(%dma_wait3A_194 : memref<128x128xf32, #tpu.memory_space<hbm>>)
        %dma_start3A_195 = arith.constant 0 : i32
        %dma_start3A_196 = tpu.memref_slice %arg5[%add3A_100, %dma_start3A_195] : memref<50x128xi32, #tpu.memory_space<vmem>> -> memref<1x128xi32, #tpu.memory_space<vmem>>
        %dma_start3A_197 = tpu.memref_squeeze %dma_start3A_196 : memref<1x128xi32, #tpu.memory_space<vmem>> -> memref<128xi32, #tpu.memory_space<vmem>>
        %dma_start3A_198 = arith.constant 0 : i32
        %dma_start3A_199 = arith.constant 0 : i32
        %dma_start3A_200 = tpu.memref_slice %arg2[%dma_start3A_198, %dma_start3A_199] : memref<100000x128xf32, #tpu.memory_space<hbm>> -> memref<100000x128xf32, #tpu.memory_space<hbm>>
        tpu.enqueue_indirect_dma source(%dma_start3A_200 : memref<100000x128xf32, #tpu.memory_space<hbm>>) target(%arg6 : memref<128x128xf32, #tpu.memory_space<vmem>>) offsets(%dma_start3A_197 : memref<128xi32, #tpu.memory_space<vmem>>) semaphore(%arg13 : memref<!tpu.dma_semaphore, #tpu.memory_space<semaphore_mem>>)
      } else {
      }
      %mul3A_111 = arith.constant 7 : i32
      %mul3A_112 = arith.muli %mul3A_111, %scan3A_76 : i32
      %add3A_113 = arith.constant 2 : i32
      %add3A_114 = arith.addi %mul3A_112, %add3A_113 : i32
      %add3A_115 = arith.constant 6 : i32
      %add3A_116 = arith.addi %add3A_114, %add3A_115 : i32
      %lt3A_117 = arith.constant 50 : i32
      %lt3A_118 = arith.cmpi slt, %add3A_114, %lt3A_117 : i32
      %convert_element_type3A_119 = arith.extui %lt3A_118 : i1 to i32
      %cond3A_120 = arith.constant 0 : i32
      %cond3A_121 = arith.cmpi ne, %convert_element_type3A_119, %cond3A_120 : i32
      scf.if %cond3A_121 {
        %dma_wait3A_191 = arith.constant 0 : i32
        %dma_wait3A_192 = arith.constant 0 : i32
        %dma_wait3A_193 = tpu.memref_slice %arg5[%dma_wait3A_191, %dma_wait3A_192] : memref<50x128xi32, #tpu.memory_space<vmem>> -> memref<1x128xi32, #tpu.memory_space<vmem>>
        %dma_wait3A_194 = tpu.memref_squeeze %dma_wait3A_193 : memref<1x128xi32, #tpu.memory_space<vmem>> -> memref<128xi32, #tpu.memory_space<vmem>>
        %dma_wait3A_195 = arith.constant 0 : i32
        %dma_wait3A_196 = arith.constant 0 : i32
        %dma_wait3A_197 = tpu.memref_slice %arg2[%dma_wait3A_195, %dma_wait3A_196] : memref<100000x128xf32, #tpu.memory_space<hbm>> -> memref<100000x128xf32, #tpu.memory_space<hbm>>
        tpu.wait_indirect_dma semaphore(%arg15 : memref<!tpu.dma_semaphore, #tpu.memory_space<semaphore_mem>>) src(%dma_wait3A_197 : memref<100000x128xf32, #tpu.memory_space<hbm>>) dst(%arg8 : memref<128x128xf32, #tpu.memory_space<vmem>>)
        %mul3A_198 = arith.constant 128 : i32
        %mul3A_199 = arith.muli %add3A_114, %mul3A_198 : i32
        %add3A_200 = arith.addi %mul3A_2, %mul3A_199 : i32
        %dma_start3A_201 = arith.constant 0 : i32
        %dma_start3A_202 = tpu.memref_slice %arg4[%add3A_200, %dma_start3A_201] : memref<204800x128xf32, #tpu.memory_space<hbm>> -> memref<128x128xf32, #tpu.memory_space<hbm>>
        %dma_start3A_203 = arith.constant 0 : i32
        %dma_start3A_204 = tpu.memref_slice %arg4[%add3A_200, %dma_start3A_203] : memref<204800x128xf32, #tpu.memory_space<hbm>> -> memref<128x128xf32, #tpu.memory_space<hbm>>
        tpu.enqueue_dma source(%arg8 : memref<128x128xf32, #tpu.memory_space<vmem>>) target(%dma_start3A_204 : memref<128x128xf32, #tpu.memory_space<hbm>>) target_semaphore(%arg22 : memref<!tpu.dma_semaphore, #tpu.memory_space<semaphore_mem>>)
      } else {
      }
      %lt3A_122 = arith.constant 50 : i32
      %lt3A_123 = arith.cmpi slt, %add3A_116, %lt3A_122 : i32
      %convert_element_type3A_124 = arith.extui %lt3A_123 : i1 to i32
      %cond3A_125 = arith.constant 0 : i32
      %cond3A_126 = arith.cmpi ne, %convert_element_type3A_124, %cond3A_125 : i32
      scf.if %cond3A_126 {
        %dma_wait3A_191 = arith.constant 0 : i32
        %dma_wait3A_192 = tpu.memref_slice %arg4[%mul3A_2, %dma_wait3A_191] : memref<204800x128xf32, #tpu.memory_space<hbm>> -> memref<128x128xf32, #tpu.memory_space<hbm>>
        %dma_wait3A_193 = arith.constant 0 : i32
        %dma_wait3A_194 = tpu.memref_slice %arg4[%mul3A_2, %dma_wait3A_193] : memref<204800x128xf32, #tpu.memory_space<hbm>> -> memref<128x128xf32, #tpu.memory_space<hbm>>
        tpu.wait_dma2 semaphore(%arg21 : memref<!tpu.dma_semaphore, #tpu.memory_space<semaphore_mem>>) src(%arg7 : memref<128x128xf32, #tpu.memory_space<vmem>>) dst(%dma_wait3A_194 : memref<128x128xf32, #tpu.memory_space<hbm>>)
        %dma_start3A_195 = arith.constant 0 : i32
        %dma_start3A_196 = tpu.memref_slice %arg5[%add3A_116, %dma_start3A_195] : memref<50x128xi32, #tpu.memory_space<vmem>> -> memref<1x128xi32, #tpu.memory_space<vmem>>
        %dma_start3A_197 = tpu.memref_squeeze %dma_start3A_196 : memref<1x128xi32, #tpu.memory_space<vmem>> -> memref<128xi32, #tpu.memory_space<vmem>>
        %dma_start3A_198 = arith.constant 0 : i32
        %dma_start3A_199 = arith.constant 0 : i32
        %dma_start3A_200 = tpu.memref_slice %arg2[%dma_start3A_198, %dma_start3A_199] : memref<100000x128xf32, #tpu.memory_space<hbm>> -> memref<100000x128xf32, #tpu.memory_space<hbm>>
        tpu.enqueue_indirect_dma source(%dma_start3A_200 : memref<100000x128xf32, #tpu.memory_space<hbm>>) target(%arg7 : memref<128x128xf32, #tpu.memory_space<vmem>>) offsets(%dma_start3A_197 : memref<128xi32, #tpu.memory_space<vmem>>) semaphore(%arg14 : memref<!tpu.dma_semaphore, #tpu.memory_space<semaphore_mem>>)
      } else {
      }
      %mul3A_127 = arith.constant 7 : i32
      %mul3A_128 = arith.muli %mul3A_127, %scan3A_76 : i32
      %add3A_129 = arith.constant 3 : i32
      %add3A_130 = arith.addi %mul3A_128, %add3A_129 : i32
      %add3A_131 = arith.constant 6 : i32
      %add3A_132 = arith.addi %add3A_130, %add3A_131 : i32
      %lt3A_133 = arith.constant 50 : i32
      %lt3A_134 = arith.cmpi slt, %add3A_130, %lt3A_133 : i32
      %convert_element_type3A_135 = arith.extui %lt3A_134 : i1 to i32
      %cond3A_136 = arith.constant 0 : i32
      %cond3A_137 = arith.cmpi ne, %convert_element_type3A_135, %cond3A_136 : i32
      scf.if %cond3A_137 {
        %dma_wait3A_191 = arith.constant 0 : i32
        %dma_wait3A_192 = arith.constant 0 : i32
        %dma_wait3A_193 = tpu.memref_slice %arg5[%dma_wait3A_191, %dma_wait3A_192] : memref<50x128xi32, #tpu.memory_space<vmem>> -> memref<1x128xi32, #tpu.memory_space<vmem>>
        %dma_wait3A_194 = tpu.memref_squeeze %dma_wait3A_193 : memref<1x128xi32, #tpu.memory_space<vmem>> -> memref<128xi32, #tpu.memory_space<vmem>>
        %dma_wait3A_195 = arith.constant 0 : i32
        %dma_wait3A_196 = arith.constant 0 : i32
        %dma_wait3A_197 = tpu.memref_slice %arg2[%dma_wait3A_195, %dma_wait3A_196] : memref<100000x128xf32, #tpu.memory_space<hbm>> -> memref<100000x128xf32, #tpu.memory_space<hbm>>
        tpu.wait_indirect_dma semaphore(%arg16 : memref<!tpu.dma_semaphore, #tpu.memory_space<semaphore_mem>>) src(%dma_wait3A_197 : memref<100000x128xf32, #tpu.memory_space<hbm>>) dst(%arg9 : memref<128x128xf32, #tpu.memory_space<vmem>>)
        %mul3A_198 = arith.constant 128 : i32
        %mul3A_199 = arith.muli %add3A_130, %mul3A_198 : i32
        %add3A_200 = arith.addi %mul3A_2, %mul3A_199 : i32
        %dma_start3A_201 = arith.constant 0 : i32
        %dma_start3A_202 = tpu.memref_slice %arg4[%add3A_200, %dma_start3A_201] : memref<204800x128xf32, #tpu.memory_space<hbm>> -> memref<128x128xf32, #tpu.memory_space<hbm>>
        %dma_start3A_203 = arith.constant 0 : i32
        %dma_start3A_204 = tpu.memref_slice %arg4[%add3A_200, %dma_start3A_203] : memref<204800x128xf32, #tpu.memory_space<hbm>> -> memref<128x128xf32, #tpu.memory_space<hbm>>
        tpu.enqueue_dma source(%arg9 : memref<128x128xf32, #tpu.memory_space<vmem>>) target(%dma_start3A_204 : memref<128x128xf32, #tpu.memory_space<hbm>>) target_semaphore(%arg23 : memref<!tpu.dma_semaphore, #tpu.memory_space<semaphore_mem>>)
      } else {
      }
      %lt3A_138 = arith.constant 50 : i32
      %lt3A_139 = arith.cmpi slt, %add3A_132, %lt3A_138 : i32
      %convert_element_type3A_140 = arith.extui %lt3A_139 : i1 to i32
      %cond3A_141 = arith.constant 0 : i32
      %cond3A_142 = arith.cmpi ne, %convert_element_type3A_140, %cond3A_141 : i32
      scf.if %cond3A_142 {
        %dma_wait3A_191 = arith.constant 0 : i32
        %dma_wait3A_192 = tpu.memref_slice %arg4[%mul3A_2, %dma_wait3A_191] : memref<204800x128xf32, #tpu.memory_space<hbm>> -> memref<128x128xf32, #tpu.memory_space<hbm>>
        %dma_wait3A_193 = arith.constant 0 : i32
        %dma_wait3A_194 = tpu.memref_slice %arg4[%mul3A_2, %dma_wait3A_193] : memref<204800x128xf32, #tpu.memory_space<hbm>> -> memref<128x128xf32, #tpu.memory_space<hbm>>
        tpu.wait_dma2 semaphore(%arg22 : memref<!tpu.dma_semaphore, #tpu.memory_space<semaphore_mem>>) src(%arg8 : memref<128x128xf32, #tpu.memory_space<vmem>>) dst(%dma_wait3A_194 : memref<128x128xf32, #tpu.memory_space<hbm>>)
        %dma_start3A_195 = arith.constant 0 : i32
        %dma_start3A_196 = tpu.memref_slice %arg5[%add3A_132, %dma_start3A_195] : memref<50x128xi32, #tpu.memory_space<vmem>> -> memref<1x128xi32, #tpu.memory_space<vmem>>
        %dma_start3A_197 = tpu.memref_squeeze %dma_start3A_196 : memref<1x128xi32, #tpu.memory_space<vmem>> -> memref<128xi32, #tpu.memory_space<vmem>>
        %dma_start3A_198 = arith.constant 0 : i32
        %dma_start3A_199 = arith.constant 0 : i32
        %dma_start3A_200 = tpu.memref_slice %arg2[%dma_start3A_198, %dma_start3A_199] : memref<100000x128xf32, #tpu.memory_space<hbm>> -> memref<100000x128xf32, #tpu.memory_space<hbm>>
        tpu.enqueue_indirect_dma source(%dma_start3A_200 : memref<100000x128xf32, #tpu.memory_space<hbm>>) target(%arg8 : memref<128x128xf32, #tpu.memory_space<vmem>>) offsets(%dma_start3A_197 : memref<128xi32, #tpu.memory_space<vmem>>) semaphore(%arg15 : memref<!tpu.dma_semaphore, #tpu.memory_space<semaphore_mem>>)
      } else {
      }
      %mul3A_143 = arith.constant 7 : i32
      %mul3A_144 = arith.muli %mul3A_143, %scan3A_76 : i32
      %add3A_145 = arith.constant 4 : i32
      %add3A_146 = arith.addi %mul3A_144, %add3A_145 : i32
      %add3A_147 = arith.constant 6 : i32
      %add3A_148 = arith.addi %add3A_146, %add3A_147 : i32
      %lt3A_149 = arith.constant 50 : i32
      %lt3A_150 = arith.cmpi slt, %add3A_146, %lt3A_149 : i32
      %convert_element_type3A_151 = arith.extui %lt3A_150 : i1 to i32
      %cond3A_152 = arith.constant 0 : i32
      %cond3A_153 = arith.cmpi ne, %convert_element_type3A_151, %cond3A_152 : i32
      scf.if %cond3A_153 {
        %dma_wait3A_191 = arith.constant 0 : i32
        %dma_wait3A_192 = arith.constant 0 : i32
        %dma_wait3A_193 = tpu.memref_slice %arg5[%dma_wait3A_191, %dma_wait3A_192] : memref<50x128xi32, #tpu.memory_space<vmem>> -> memref<1x128xi32, #tpu.memory_space<vmem>>
        %dma_wait3A_194 = tpu.memref_squeeze %dma_wait3A_193 : memref<1x128xi32, #tpu.memory_space<vmem>> -> memref<128xi32, #tpu.memory_space<vmem>>
        %dma_wait3A_195 = arith.constant 0 : i32
        %dma_wait3A_196 = arith.constant 0 : i32
        %dma_wait3A_197 = tpu.memref_slice %arg2[%dma_wait3A_195, %dma_wait3A_196] : memref<100000x128xf32, #tpu.memory_space<hbm>> -> memref<100000x128xf32, #tpu.memory_space<hbm>>
        tpu.wait_indirect_dma semaphore(%arg17 : memref<!tpu.dma_semaphore, #tpu.memory_space<semaphore_mem>>) src(%dma_wait3A_197 : memref<100000x128xf32, #tpu.memory_space<hbm>>) dst(%arg10 : memref<128x128xf32, #tpu.memory_space<vmem>>)
        %mul3A_198 = arith.constant 128 : i32
        %mul3A_199 = arith.muli %add3A_146, %mul3A_198 : i32
        %add3A_200 = arith.addi %mul3A_2, %mul3A_199 : i32
        %dma_start3A_201 = arith.constant 0 : i32
        %dma_start3A_202 = tpu.memref_slice %arg4[%add3A_200, %dma_start3A_201] : memref<204800x128xf32, #tpu.memory_space<hbm>> -> memref<128x128xf32, #tpu.memory_space<hbm>>
        %dma_start3A_203 = arith.constant 0 : i32
        %dma_start3A_204 = tpu.memref_slice %arg4[%add3A_200, %dma_start3A_203] : memref<204800x128xf32, #tpu.memory_space<hbm>> -> memref<128x128xf32, #tpu.memory_space<hbm>>
        tpu.enqueue_dma source(%arg10 : memref<128x128xf32, #tpu.memory_space<vmem>>) target(%dma_start3A_204 : memref<128x128xf32, #tpu.memory_space<hbm>>) target_semaphore(%arg24 : memref<!tpu.dma_semaphore, #tpu.memory_space<semaphore_mem>>)
      } else {
      }
      %lt3A_154 = arith.constant 50 : i32
      %lt3A_155 = arith.cmpi slt, %add3A_148, %lt3A_154 : i32
      %convert_element_type3A_156 = arith.extui %lt3A_155 : i1 to i32
      %cond3A_157 = arith.constant 0 : i32
      %cond3A_158 = arith.cmpi ne, %convert_element_type3A_156, %cond3A_157 : i32
      scf.if %cond3A_158 {
        %dma_wait3A_191 = arith.constant 0 : i32
        %dma_wait3A_192 = tpu.memref_slice %arg4[%mul3A_2, %dma_wait3A_191] : memref<204800x128xf32, #tpu.memory_space<hbm>> -> memref<128x128xf32, #tpu.memory_space<hbm>>
        %dma_wait3A_193 = arith.constant 0 : i32
        %dma_wait3A_194 = tpu.memref_slice %arg4[%mul3A_2, %dma_wait3A_193] : memref<204800x128xf32, #tpu.memory_space<hbm>> -> memref<128x128xf32, #tpu.memory_space<hbm>>
        tpu.wait_dma2 semaphore(%arg23 : memref<!tpu.dma_semaphore, #tpu.memory_space<semaphore_mem>>) src(%arg9 : memref<128x128xf32, #tpu.memory_space<vmem>>) dst(%dma_wait3A_194 : memref<128x128xf32, #tpu.memory_space<hbm>>)
        %dma_start3A_195 = arith.constant 0 : i32
        %dma_start3A_196 = tpu.memref_slice %arg5[%add3A_148, %dma_start3A_195] : memref<50x128xi32, #tpu.memory_space<vmem>> -> memref<1x128xi32, #tpu.memory_space<vmem>>
        %dma_start3A_197 = tpu.memref_squeeze %dma_start3A_196 : memref<1x128xi32, #tpu.memory_space<vmem>> -> memref<128xi32, #tpu.memory_space<vmem>>
        %dma_start3A_198 = arith.constant 0 : i32
        %dma_start3A_199 = arith.constant 0 : i32
        %dma_start3A_200 = tpu.memref_slice %arg2[%dma_start3A_198, %dma_start3A_199] : memref<100000x128xf32, #tpu.memory_space<hbm>> -> memref<100000x128xf32, #tpu.memory_space<hbm>>
        tpu.enqueue_indirect_dma source(%dma_start3A_200 : memref<100000x128xf32, #tpu.memory_space<hbm>>) target(%arg9 : memref<128x128xf32, #tpu.memory_space<vmem>>) offsets(%dma_start3A_197 : memref<128xi32, #tpu.memory_space<vmem>>) semaphore(%arg16 : memref<!tpu.dma_semaphore, #tpu.memory_space<semaphore_mem>>)
      } else {
      }
      %mul3A_159 = arith.constant 7 : i32
      %mul3A_160 = arith.muli %mul3A_159, %scan3A_76 : i32
      %add3A_161 = arith.constant 5 : i32
      %add3A_162 = arith.addi %mul3A_160, %add3A_161 : i32
      %add3A_163 = arith.constant 6 : i32
      %add3A_164 = arith.addi %add3A_162, %add3A_163 : i32
      %lt3A_165 = arith.constant 50 : i32
      %lt3A_166 = arith.cmpi slt, %add3A_162, %lt3A_165 : i32
      %convert_element_type3A_167 = arith.extui %lt3A_166 : i1 to i32
      %cond3A_168 = arith.constant 0 : i32
      %cond3A_169 = arith.cmpi ne, %convert_element_type3A_167, %cond3A_168 : i32
      scf.if %cond3A_169 {
        %dma_wait3A_191 = arith.constant 0 : i32
        %dma_wait3A_192 = arith.constant 0 : i32
        %dma_wait3A_193 = tpu.memref_slice %arg5[%dma_wait3A_191, %dma_wait3A_192] : memref<50x128xi32, #tpu.memory_space<vmem>> -> memref<1x128xi32, #tpu.memory_space<vmem>>
        %dma_wait3A_194 = tpu.memref_squeeze %dma_wait3A_193 : memref<1x128xi32, #tpu.memory_space<vmem>> -> memref<128xi32, #tpu.memory_space<vmem>>
        %dma_wait3A_195 = arith.constant 0 : i32
        %dma_wait3A_196 = arith.constant 0 : i32
        %dma_wait3A_197 = tpu.memref_slice %arg2[%dma_wait3A_195, %dma_wait3A_196] : memref<100000x128xf32, #tpu.memory_space<hbm>> -> memref<100000x128xf32, #tpu.memory_space<hbm>>
        tpu.wait_indirect_dma semaphore(%arg18 : memref<!tpu.dma_semaphore, #tpu.memory_space<semaphore_mem>>) src(%dma_wait3A_197 : memref<100000x128xf32, #tpu.memory_space<hbm>>) dst(%arg11 : memref<128x128xf32, #tpu.memory_space<vmem>>)
        %mul3A_198 = arith.constant 128 : i32
        %mul3A_199 = arith.muli %add3A_162, %mul3A_198 : i32
        %add3A_200 = arith.addi %mul3A_2, %mul3A_199 : i32
        %dma_start3A_201 = arith.constant 0 : i32
        %dma_start3A_202 = tpu.memref_slice %arg4[%add3A_200, %dma_start3A_201] : memref<204800x128xf32, #tpu.memory_space<hbm>> -> memref<128x128xf32, #tpu.memory_space<hbm>>
        %dma_start3A_203 = arith.constant 0 : i32
        %dma_start3A_204 = tpu.memref_slice %arg4[%add3A_200, %dma_start3A_203] : memref<204800x128xf32, #tpu.memory_space<hbm>> -> memref<128x128xf32, #tpu.memory_space<hbm>>
        tpu.enqueue_dma source(%arg11 : memref<128x128xf32, #tpu.memory_space<vmem>>) target(%dma_start3A_204 : memref<128x128xf32, #tpu.memory_space<hbm>>) target_semaphore(%arg25 : memref<!tpu.dma_semaphore, #tpu.memory_space<semaphore_mem>>)
      } else {
      }
      %lt3A_170 = arith.constant 50 : i32
      %lt3A_171 = arith.cmpi slt, %add3A_164, %lt3A_170 : i32
      %convert_element_type3A_172 = arith.extui %lt3A_171 : i1 to i32
      %cond3A_173 = arith.constant 0 : i32
      %cond3A_174 = arith.cmpi ne, %convert_element_type3A_172, %cond3A_173 : i32
      scf.if %cond3A_174 {
        %dma_wait3A_191 = arith.constant 0 : i32
        %dma_wait3A_192 = tpu.memref_slice %arg4[%mul3A_2, %dma_wait3A_191] : memref<204800x128xf32, #tpu.memory_space<hbm>> -> memref<128x128xf32, #tpu.memory_space<hbm>>
        %dma_wait3A_193 = arith.constant 0 : i32
        %dma_wait3A_194 = tpu.memref_slice %arg4[%mul3A_2, %dma_wait3A_193] : memref<204800x128xf32, #tpu.memory_space<hbm>> -> memref<128x128xf32, #tpu.memory_space<hbm>>
        tpu.wait_dma2 semaphore(%arg24 : memref<!tpu.dma_semaphore, #tpu.memory_space<semaphore_mem>>) src(%arg10 : memref<128x128xf32, #tpu.memory_space<vmem>>) dst(%dma_wait3A_194 : memref<128x128xf32, #tpu.memory_space<hbm>>)
        %dma_start3A_195 = arith.constant 0 : i32
        %dma_start3A_196 = tpu.memref_slice %arg5[%add3A_164, %dma_start3A_195] : memref<50x128xi32, #tpu.memory_space<vmem>> -> memref<1x128xi32, #tpu.memory_space<vmem>>
        %dma_start3A_197 = tpu.memref_squeeze %dma_start3A_196 : memref<1x128xi32, #tpu.memory_space<vmem>> -> memref<128xi32, #tpu.memory_space<vmem>>
        %dma_start3A_198 = arith.constant 0 : i32
        %dma_start3A_199 = arith.constant 0 : i32
        %dma_start3A_200 = tpu.memref_slice %arg2[%dma_start3A_198, %dma_start3A_199] : memref<100000x128xf32, #tpu.memory_space<hbm>> -> memref<100000x128xf32, #tpu.memory_space<hbm>>
        tpu.enqueue_indirect_dma source(%dma_start3A_200 : memref<100000x128xf32, #tpu.memory_space<hbm>>) target(%arg10 : memref<128x128xf32, #tpu.memory_space<vmem>>) offsets(%dma_start3A_197 : memref<128xi32, #tpu.memory_space<vmem>>) semaphore(%arg17 : memref<!tpu.dma_semaphore, #tpu.memory_space<semaphore_mem>>)
      } else {
      }
      %mul3A_175 = arith.constant 7 : i32
      %mul3A_176 = arith.muli %mul3A_175, %scan3A_76 : i32
      %add3A_177 = arith.constant 6 : i32
      %add3A_178 = arith.addi %mul3A_176, %add3A_177 : i32
      %add3A_179 = arith.constant 6 : i32
      %add3A_180 = arith.addi %add3A_178, %add3A_179 : i32
      %lt3A_181 = arith.constant 50 : i32
      %lt3A_182 = arith.cmpi slt, %add3A_178, %lt3A_181 : i32
      %convert_element_type3A_183 = arith.extui %lt3A_182 : i1 to i32
      %cond3A_184 = arith.constant 0 : i32
      %cond3A_185 = arith.cmpi ne, %convert_element_type3A_183, %cond3A_184 : i32
      scf.if %cond3A_185 {
        %dma_wait3A_191 = arith.constant 0 : i32
        %dma_wait3A_192 = arith.constant 0 : i32
        %dma_wait3A_193 = tpu.memref_slice %arg5[%dma_wait3A_191, %dma_wait3A_192] : memref<50x128xi32, #tpu.memory_space<vmem>> -> memref<1x128xi32, #tpu.memory_space<vmem>>
        %dma_wait3A_194 = tpu.memref_squeeze %dma_wait3A_193 : memref<1x128xi32, #tpu.memory_space<vmem>> -> memref<128xi32, #tpu.memory_space<vmem>>
        %dma_wait3A_195 = arith.constant 0 : i32
        %dma_wait3A_196 = arith.constant 0 : i32
        %dma_wait3A_197 = tpu.memref_slice %arg2[%dma_wait3A_195, %dma_wait3A_196] : memref<100000x128xf32, #tpu.memory_space<hbm>> -> memref<100000x128xf32, #tpu.memory_space<hbm>>
        tpu.wait_indirect_dma semaphore(%arg19 : memref<!tpu.dma_semaphore, #tpu.memory_space<semaphore_mem>>) src(%dma_wait3A_197 : memref<100000x128xf32, #tpu.memory_space<hbm>>) dst(%arg12 : memref<128x128xf32, #tpu.memory_space<vmem>>)
        %mul3A_198 = arith.constant 128 : i32
        %mul3A_199 = arith.muli %add3A_178, %mul3A_198 : i32
        %add3A_200 = arith.addi %mul3A_2, %mul3A_199 : i32
        %dma_start3A_201 = arith.constant 0 : i32
        %dma_start3A_202 = tpu.memref_slice %arg4[%add3A_200, %dma_start3A_201] : memref<204800x128xf32, #tpu.memory_space<hbm>> -> memref<128x128xf32, #tpu.memory_space<hbm>>
        %dma_start3A_203 = arith.constant 0 : i32
        %dma_start3A_204 = tpu.memref_slice %arg4[%add3A_200, %dma_start3A_203] : memref<204800x128xf32, #tpu.memory_space<hbm>> -> memref<128x128xf32, #tpu.memory_space<hbm>>
        tpu.enqueue_dma source(%arg12 : memref<128x128xf32, #tpu.memory_space<vmem>>) target(%dma_start3A_204 : memref<128x128xf32, #tpu.memory_space<hbm>>) target_semaphore(%arg26 : memref<!tpu.dma_semaphore, #tpu.memory_space<semaphore_mem>>)
      } else {
      }
      %lt3A_186 = arith.constant 50 : i32
      %lt3A_187 = arith.cmpi slt, %add3A_180, %lt3A_186 : i32
      %convert_element_type3A_188 = arith.extui %lt3A_187 : i1 to i32
      %cond3A_189 = arith.constant 0 : i32
      %cond3A_190 = arith.cmpi ne, %convert_element_type3A_188, %cond3A_189 : i32
      scf.if %cond3A_190 {
        %dma_wait3A_191 = arith.constant 0 : i32
        %dma_wait3A_192 = tpu.memref_slice %arg4[%mul3A_2, %dma_wait3A_191] : memref<204800x128xf32, #tpu.memory_space<hbm>> -> memref<128x128xf32, #tpu.memory_space<hbm>>
        %dma_wait3A_193 = arith.constant 0 : i32
        %dma_wait3A_194 = tpu.memref_slice %arg4[%mul3A_2, %dma_wait3A_193] : memref<204800x128xf32, #tpu.memory_space<hbm>> -> memref<128x128xf32, #tpu.memory_space<hbm>>
        tpu.wait_dma2 semaphore(%arg25 : memref<!tpu.dma_semaphore, #tpu.memory_space<semaphore_mem>>) src(%arg11 : memref<128x128xf32, #tpu.memory_space<vmem>>) dst(%dma_wait3A_194 : memref<128x128xf32, #tpu.memory_space<hbm>>)
        %dma_start3A_195 = arith.constant 0 : i32
        %dma_start3A_196 = tpu.memref_slice %arg5[%add3A_180, %dma_start3A_195] : memref<50x128xi32, #tpu.memory_space<vmem>> -> memref<1x128xi32, #tpu.memory_space<vmem>>
        %dma_start3A_197 = tpu.memref_squeeze %dma_start3A_196 : memref<1x128xi32, #tpu.memory_space<vmem>> -> memref<128xi32, #tpu.memory_space<vmem>>
        %dma_start3A_198 = arith.constant 0 : i32
        %dma_start3A_199 = arith.constant 0 : i32
        %dma_start3A_200 = tpu.memref_slice %arg2[%dma_start3A_198, %dma_start3A_199] : memref<100000x128xf32, #tpu.memory_space<hbm>> -> memref<100000x128xf32, #tpu.memory_space<hbm>>
        tpu.enqueue_indirect_dma source(%dma_start3A_200 : memref<100000x128xf32, #tpu.memory_space<hbm>>) target(%arg11 : memref<128x128xf32, #tpu.memory_space<vmem>>) offsets(%dma_start3A_197 : memref<128xi32, #tpu.memory_space<vmem>>) semaphore(%arg18 : memref<!tpu.dma_semaphore, #tpu.memory_space<semaphore_mem>>)
      } else {
      }
    }
    %scan3A_48 = arith.constant 8 : i32
    %dma_wait3A = arith.constant 0 : i32
    %dma_wait3A_49 = tpu.memref_slice %arg4[%mul3A_2, %dma_wait3A] : memref<204800x128xf32, #tpu.memory_space<hbm>> -> memref<128x128xf32, #tpu.memory_space<hbm>>
    %dma_wait3A_50 = arith.constant 0 : i32
    %dma_wait3A_51 = tpu.memref_slice %arg4[%mul3A_2, %dma_wait3A_50] : memref<204800x128xf32, #tpu.memory_space<hbm>> -> memref<128x128xf32, #tpu.memory_space<hbm>>
    tpu.wait_dma2 semaphore(%arg20 : memref<!tpu.dma_semaphore, #tpu.memory_space<semaphore_mem>>) src(%arg6 : memref<128x128xf32, #tpu.memory_space<vmem>>) dst(%dma_wait3A_51 : memref<128x128xf32, #tpu.memory_space<hbm>>)
    %dma_wait3A_52 = arith.constant 0 : i32
    %dma_wait3A_53 = tpu.memref_slice %arg4[%mul3A_2, %dma_wait3A_52] : memref<204800x128xf32, #tpu.memory_space<hbm>> -> memref<128x128xf32, #tpu.memory_space<hbm>>
    %dma_wait3A_54 = arith.constant 0 : i32
    %dma_wait3A_55 = tpu.memref_slice %arg4[%mul3A_2, %dma_wait3A_54] : memref<204800x128xf32, #tpu.memory_space<hbm>> -> memref<128x128xf32, #tpu.memory_space<hbm>>
    tpu.wait_dma2 semaphore(%arg21 : memref<!tpu.dma_semaphore, #tpu.memory_space<semaphore_mem>>) src(%arg7 : memref<128x128xf32, #tpu.memory_space<vmem>>) dst(%dma_wait3A_55 : memref<128x128xf32, #tpu.memory_space<hbm>>)
    %dma_wait3A_56 = arith.constant 0 : i32
    %dma_wait3A_57 = tpu.memref_slice %arg4[%mul3A_2, %dma_wait3A_56] : memref<204800x128xf32, #tpu.memory_space<hbm>> -> memref<128x128xf32, #tpu.memory_space<hbm>>
    %dma_wait3A_58 = arith.constant 0 : i32
    %dma_wait3A_59 = tpu.memref_slice %arg4[%mul3A_2, %dma_wait3A_58] : memref<204800x128xf32, #tpu.memory_space<hbm>> -> memref<128x128xf32, #tpu.memory_space<hbm>>
    tpu.wait_dma2 semaphore(%arg22 : memref<!tpu.dma_semaphore, #tpu.memory_space<semaphore_mem>>) src(%arg8 : memref<128x128xf32, #tpu.memory_space<vmem>>) dst(%dma_wait3A_59 : memref<128x128xf32, #tpu.memory_space<hbm>>)
    %dma_wait3A_60 = arith.constant 0 : i32
    %dma_wait3A_61 = tpu.memref_slice %arg4[%mul3A_2, %dma_wait3A_60] : memref<204800x128xf32, #tpu.memory_space<hbm>> -> memref<128x128xf32, #tpu.memory_space<hbm>>
    %dma_wait3A_62 = arith.constant 0 : i32
    %dma_wait3A_63 = tpu.memref_slice %arg4[%mul3A_2, %dma_wait3A_62] : memref<204800x128xf32, #tpu.memory_space<hbm>> -> memref<128x128xf32, #tpu.memory_space<hbm>>
    tpu.wait_dma2 semaphore(%arg23 : memref<!tpu.dma_semaphore, #tpu.memory_space<semaphore_mem>>) src(%arg9 : memref<128x128xf32, #tpu.memory_space<vmem>>) dst(%dma_wait3A_63 : memref<128x128xf32, #tpu.memory_space<hbm>>)
    %dma_wait3A_64 = arith.constant 0 : i32
    %dma_wait3A_65 = tpu.memref_slice %arg4[%mul3A_2, %dma_wait3A_64] : memref<204800x128xf32, #tpu.memory_space<hbm>> -> memref<128x128xf32, #tpu.memory_space<hbm>>
    %dma_wait3A_66 = arith.constant 0 : i32
    %dma_wait3A_67 = tpu.memref_slice %arg4[%mul3A_2, %dma_wait3A_66] : memref<204800x128xf32, #tpu.memory_space<hbm>> -> memref<128x128xf32, #tpu.memory_space<hbm>>
    tpu.wait_dma2 semaphore(%arg24 : memref<!tpu.dma_semaphore, #tpu.memory_space<semaphore_mem>>) src(%arg10 : memref<128x128xf32, #tpu.memory_space<vmem>>) dst(%dma_wait3A_67 : memref<128x128xf32, #tpu.memory_space<hbm>>)
    %dma_wait3A_68 = arith.constant 0 : i32
    %dma_wait3A_69 = tpu.memref_slice %arg4[%mul3A_2, %dma_wait3A_68] : memref<204800x128xf32, #tpu.memory_space<hbm>> -> memref<128x128xf32, #tpu.memory_space<hbm>>
    %dma_wait3A_70 = arith.constant 0 : i32
    %dma_wait3A_71 = tpu.memref_slice %arg4[%mul3A_2, %dma_wait3A_70] : memref<204800x128xf32, #tpu.memory_space<hbm>> -> memref<128x128xf32, #tpu.memory_space<hbm>>
    tpu.wait_dma2 semaphore(%arg25 : memref<!tpu.dma_semaphore, #tpu.memory_space<semaphore_mem>>) src(%arg11 : memref<128x128xf32, #tpu.memory_space<vmem>>) dst(%dma_wait3A_71 : memref<128x128xf32, #tpu.memory_space<hbm>>)
    %dma_wait3A_72 = arith.constant 0 : i32
    %dma_wait3A_73 = tpu.memref_slice %arg4[%mul3A_2, %dma_wait3A_72] : memref<204800x128xf32, #tpu.memory_space<hbm>> -> memref<128x128xf32, #tpu.memory_space<hbm>>
    %dma_wait3A_74 = arith.constant 0 : i32
    %dma_wait3A_75 = tpu.memref_slice %arg4[%mul3A_2, %dma_wait3A_74] : memref<204800x128xf32, #tpu.memory_space<hbm>> -> memref<128x128xf32, #tpu.memory_space<hbm>>
    tpu.wait_dma2 semaphore(%arg26 : memref<!tpu.dma_semaphore, #tpu.memory_space<semaphore_mem>>) src(%arg12 : memref<128x128xf32, #tpu.memory_space<vmem>>) dst(%dma_wait3A_75 : memref<128x128xf32, #tpu.memory_space<hbm>>)
    return
  }
}

module attributes {stable_mosaic.version = 14 : i64} {
  func.func @body(%arg0: i32, %arg1: memref<64x200x128xf32, #tpu.memory_space<vmem>>, %arg2: memref<200x128xf32, #tpu.memory_space<vmem>>, %arg3: memref<2x128xf32, #tpu.memory_space<vmem>>, %arg4: memref<4x128xf32, #tpu.memory_space<vmem>>, %arg5: memref<128xf32, #tpu.memory_space<vmem>>, %arg6: memref<128xf32, #tpu.memory_space<vmem>>, %arg7: memref<64x200x128xf32, #tpu.memory_space<vmem>>) attributes {dimension_semantics = [#tpu.dimension_semantics<arbitrary>], iteration_bounds = array<i64: 16>, scalar_prefetch = 0 : i64, scratch_operands = 0 : i64, tpu.core_type = #tpu.core_type<tc>, window_params = [{transform_indices = @transform_0, window_bounds = array<i64: 64, 200, 128>}, {transform_indices = @transform_1, window_bounds = array<i64: 200, 128>}, {pipeline_mode = #tpu.pipeline_mode<synchronous>, transform_indices = @transform_2, window_bounds = array<i64: 2, 128>}, {pipeline_mode = #tpu.pipeline_mode<synchronous>, transform_indices = @transform_3, window_bounds = array<i64: 4, 128>}, {pipeline_mode = #tpu.pipeline_mode<synchronous>, transform_indices = @transform_4, window_bounds = array<i64: 128>}, {pipeline_mode = #tpu.pipeline_mode<synchronous>, transform_indices = @transform_5, window_bounds = array<i64: 128>}, {transform_indices = @transform_6, window_bounds = array<i64: 64, 200, 128>}]} {
    %get3A = arith.constant 0 : index
    %get3A_0 = arith.constant 0 : index
    %get3A_1 = vector.load %arg2[%get3A, %get3A_0] : memref<200x128xf32, #tpu.memory_space<vmem>>, vector<200x128xf32>
    %get3A_2 = arith.constant 0 : index
    %get3A_3 = arith.constant 0 : index
    %get3A_4 = vector.load %arg3[%get3A_2, %get3A_3] : memref<2x128xf32, #tpu.memory_space<vmem>>, vector<1x128xf32>
    %add3A = vector.broadcast %get3A_4 : vector<1x128xf32> to vector<200x128xf32>
    %add3A_5 = arith.addf %get3A_1, %add3A : vector<200x128xf32>
    %get3A_6 = arith.constant 1 : index
    %get3A_7 = arith.constant 0 : index
    %get3A_8 = vector.load %arg4[%get3A_6, %get3A_7] : memref<4x128xf32, #tpu.memory_space<vmem>>, vector<1x128xf32>
    %add3A_9 = vector.broadcast %get3A_8 : vector<1x128xf32> to vector<200x128xf32>
    %add3A_10 = arith.addf %add3A_5, %add3A_9 : vector<200x128xf32>
    %get3A_11 = arith.constant 0 : index
    %get3A_12 = arith.constant 0 : index
    %get3A_13 = arith.constant 0 : index
    %get3A_14 = vector.load %arg1[%get3A_11, %get3A_12, %get3A_13] : memref<64x200x128xf32, #tpu.memory_space<vmem>>, vector<64x200x128xf32>
    %broadcast_in_dim3A = vector.shape_cast %add3A_10 : vector<200x128xf32> to vector<1x200x128xf32>
    %add3A_15 = vector.broadcast %broadcast_in_dim3A : vector<1x200x128xf32> to vector<64x200x128xf32>
    %add3A_16 = arith.addf %get3A_14, %add3A_15 : vector<64x200x128xf32>
    %reshape3A = vector.shape_cast %add3A_16 : vector<64x200x128xf32> to vector<12800x128xf32>
    %broadcast_in_dim3A_17 = arith.constant 1.000000e+00 : bf16
    %broadcast_in_dim3A_18 = vector.broadcast %broadcast_in_dim3A_17 : bf16 to vector<128x128xbf16>
    %convert_element_type3A = arith.truncf %reshape3A : vector<12800x128xf32> to vector<12800x128xbf16>
    %mul3A = arith.mulf %reshape3A, %reshape3A : vector<12800x128xf32>
    %convert_element_type3A_19 = arith.truncf %mul3A : vector<12800x128xf32> to vector<12800x128xbf16>
    %dot_general3A = arith.constant dense<0.000000e+00> : vector<12800x128xf32>
    %dot_general3A_20 = tpu.matmul %convert_element_type3A, %broadcast_in_dim3A_18, %dot_general3A {dimension_numbers = #tpu.dot_dimension_numbers<[1], [0], [0], [1], [0, 0, 1, 1], [], []>, transpose_lhs_hint = false} : vector<12800x128xbf16>, vector<128x128xbf16>, vector<12800x128xf32> -> vector<12800x128xf32>
    %dot_general3A_21 = arith.constant dense<0.000000e+00> : vector<12800x128xf32>
    %dot_general3A_22 = tpu.matmul %convert_element_type3A_19, %broadcast_in_dim3A_18, %dot_general3A_21 {dimension_numbers = #tpu.dot_dimension_numbers<[1], [0], [0], [1], [0, 0, 1, 1], [], []>, transpose_lhs_hint = false} : vector<12800x128xbf16>, vector<128x128xbf16>, vector<12800x128xf32> -> vector<12800x128xf32>
    %mul3A_23 = arith.constant 7.812500e-03 : f32
    %mul3A_24 = vector.broadcast %mul3A_23 : f32 to vector<12800x128xf32>
    %mul3A_25 = arith.mulf %dot_general3A_20, %mul3A_24 : vector<12800x128xf32>
    %mul3A_26 = arith.constant 7.812500e-03 : f32
    %mul3A_27 = vector.broadcast %mul3A_26 : f32 to vector<12800x128xf32>
    %mul3A_28 = arith.mulf %dot_general3A_22, %mul3A_27 : vector<12800x128xf32>
    %mul3A_29 = arith.mulf %mul3A_25, %mul3A_25 : vector<12800x128xf32>
    %sub3A = arith.subf %mul3A_28, %mul3A_29 : vector<12800x128xf32>
    %sub3A_30 = arith.subf %reshape3A, %mul3A_25 : vector<12800x128xf32>
    %add3A_31 = arith.constant 9.99999996E-13 : f32
    %add3A_32 = vector.broadcast %add3A_31 : f32 to vector<12800x128xf32>
    %add3A_33 = arith.addf %sub3A, %add3A_32 : vector<12800x128xf32>
    %rsqrt3A = math.rsqrt %add3A_33 : vector<12800x128xf32>
    %mul3A_34 = arith.mulf %sub3A_30, %rsqrt3A : vector<12800x128xf32>
    %get3A_35 = arith.constant 0 : index
    %get3A_36 = vector.load %arg5[%get3A_35] : memref<128xf32, #tpu.memory_space<vmem>>, vector<128xf32>
    %broadcast_in_dim3A_37 = vector.shape_cast %get3A_36 : vector<128xf32> to vector<1x128xf32>
    %mul3A_38 = vector.broadcast %broadcast_in_dim3A_37 : vector<1x128xf32> to vector<12800x128xf32>
    %mul3A_39 = arith.mulf %mul3A_34, %mul3A_38 : vector<12800x128xf32>
    %get3A_40 = arith.constant 0 : index
    %get3A_41 = vector.load %arg6[%get3A_40] : memref<128xf32, #tpu.memory_space<vmem>>, vector<128xf32>
    %broadcast_in_dim3A_42 = vector.shape_cast %get3A_41 : vector<128xf32> to vector<1x128xf32>
    %add3A_43 = vector.broadcast %broadcast_in_dim3A_42 : vector<1x128xf32> to vector<12800x128xf32>
    %add3A_44 = arith.addf %mul3A_39, %add3A_43 : vector<12800x128xf32>
    %reshape3A_45 = vector.shape_cast %add3A_44 : vector<12800x128xf32> to vector<64x200x128xf32>
    %swap3A = arith.constant 0 : index
    %swap3A_46 = arith.constant 0 : index
    %swap3A_47 = arith.constant 0 : index
    %swap3A_48 = vector.load %arg7[%swap3A, %swap3A_46, %swap3A_47] : memref<64x200x128xf32, #tpu.memory_space<vmem>>, vector<64x200x128xf32>
    tpu.vector_store %arg7[%swap3A, %swap3A_46, %swap3A_47], %reshape3A_45 {strides = array<i32>} : memref<64x200x128xf32, #tpu.memory_space<vmem>>, vector<64x200x128xf32>,
    return
  }
  func.func @transform_0(%arg0: i32) -> (i32, i32, i32) {
    %c0_i32 = arith.constant 0 : i32
    %c0_i32_0 = arith.constant 0 : i32
    %c0_i32_1 = arith.constant 0 : i32
    return %arg0, %c0_i32, %c0_i32_0 : i32, i32, i32
  }
  func.func @transform_1(%arg0: i32) -> (i32, i32) {
    %c0_i32 = arith.constant 0 : i32
    %c0_i32_0 = arith.constant 0 : i32
    %c0_i32_1 = arith.constant 0 : i32
    return %c0_i32, %c0_i32_0 : i32, i32
  }
  func.func @transform_2(%arg0: i32) -> (i32, i32) {
    %c0_i32 = arith.constant 0 : i32
    %c0_i32_0 = arith.constant 0 : i32
    %c0_i32_1 = arith.constant 0 : i32
    return %c0_i32, %c0_i32_0 : i32, i32
  }
  func.func @transform_3(%arg0: i32) -> (i32, i32) {
    %c0_i32 = arith.constant 0 : i32
    %c0_i32_0 = arith.constant 0 : i32
    %c0_i32_1 = arith.constant 0 : i32
    return %c0_i32, %c0_i32_0 : i32, i32
  }
  func.func @transform_4(%arg0: i32) -> i32 {
    %c0_i32 = arith.constant 0 : i32
    %c0_i32_0 = arith.constant 0 : i32
    return %c0_i32 : i32
  }
  func.func @transform_5(%arg0: i32) -> i32 {
    %c0_i32 = arith.constant 0 : i32
    %c0_i32_0 = arith.constant 0 : i32
    return %c0_i32 : i32
  }
  func.func @transform_6(%arg0: i32) -> (i32, i32, i32) {
    %c0_i32 = arith.constant 0 : i32
    %c0_i32_0 = arith.constant 0 : i32
    %c0_i32_1 = arith.constant 0 : i32
    return %arg0, %c0_i32, %c0_i32_0 : i32, i32, i32
  }
}

</mosaic_0001>

<sc_bundles>
// kernel: kernel.4.cloned.1.call-start
scs
__scs_entry_jumppad:
0x0: {  	(pc) =	sbr.rel $0x88, $3  }
0x1: {  	(tag) =	ssettag $0x0;
	lr =	simm.s32 $0x1  }
0x2: {  	[smem:$0x3F9A] =	sst lr;
	_ =	strace $0xD0000000  }
0x3: {  	_ = 	snop  }
0x4: {  	_ = 	snop  }
0x5: {  	_ = 	snop  }
0x6: {  	_ = 	snop  }
0x7: {  	_ = 	snop  }
__scs_overlays_trampoline_lowered:
0x8: {  	[smem:$0x3FA9] =	sst s0  }
0x9: {  	[smem:$0x3FAA] =	sst s1  }
0xa: {  	[smem:$0x3FAB] =	sst s2  }
0xb: {  	[smem:$0x3FAC] =	sst s3  }
0xc: {  	[smem:$0x3FAD] =	sst s4  }
0xd: {  	[smem:$0x3FAE] =	sst s5  }
0xe: {  	[smem:$0x3FAF] =	sst s6  }
0xf: {  	[smem:$0x3FB0] =	sst s7  }
0x10: {  	[smem:$0x3FB1] =	sst s8  }
0x11: {  	[smem:$0x3FB2] =	sst s9;
	s0 =	simm.s32 @!p0 $0x0  }
0x12: {  	s1 =	sld [smem:$0x3F98];
	s0 =	simm.s32 @p0 $0x1  }
0x13: {  	[smem:$0x3FB3] =	sst s0;
	s0 =	simm.s32 @!p1 $0x0  }
0x14: {  	s2 =	sld [smem:$0x3F97];
	s0 =	simm.s32 @p1 $0x1  }
0x15: {  	[smem:$0x3FB4] =	sst s0;
	s0 =	simm.s32 @!p2 $0x0  }
0x16: {  	s3 =	sld [smem:$0x3FDB];
	s0 =	simm.s32 @p2 $0x1  }
0x17: {  	s4 =	simm.s32 $0x1BF5;
	[smem:$0x3FB6] =	sst s0  }
0x18: {  	s0 =	sld [smem:$0x3F99];
	_ =	swait.ge [sflag:s4], $0x0  }
0x19: {  	s7 =	sld [smem:$0x3F9A]  }
0x1a: {  	s8 =	sadd.s32 $0xFFFFE003, lr  }
0x1b: {  	s9 =	sadd.s32 $0xFFFFFEF7, lr;
	s5 =	simm.s32 $0xFFFFFFFF;
	p2 =	slt.u32 s8, $0xFFFFF086  }
0x1c: {  	p1 =	slt.u32 s9, $0xF7A;
	s5 =	simm.s32 @!p2 $0x0  }
0x1d: {  	s5 =	simm.s32 @p1 $0x1;
	p0 =	seq.s32 s7, s2  }
0x1e: {  	s7 =	smul.u32 @!p0 $0xF7A, s2;
	p2 =	seq.s32 @!p0 s5, $0x0  }
0x1f: {  	s9 =	smul.u32 $0xF7A, s1;
	s8 =	simm.s32 @!p0 $0x1BF5;
	p2 =	por !p2, p0  }
0x20: {  	[sflag:s8] =	ssyncset.s32 @!p0 $0xFFFFF086;
	s6 =	sadd.s32 @!p0 s3, s7;
	s7 =	simm.s32 @!p0 $0x108  }
0x21: {  	s3 =	sadd.s32 s3, s9;
	s6 =	sadd.s32 @!p0 $0x88, s6;
	s7 =	simm.s32 @p2 $0x1082  }
0x22: {  	[simem:s7], [sflag:s8] =	dma.local @!p0 [hbm:s6], $0xF7A  }
0x23: {  	s9 =	sor.u32 $0xD0000000, s2;
	s6 =	simm.s32 $0x108;
	_ =	swait.ge @!p0 [sflag:s8], $0x0  }
0x24: {  	s3 =	sadd.s32 $0x88, s3;
	s6 =	simm.s32 @!p1 $0x1082;
	[sflag:s4] =	ssyncset.s32 $0xFFFFF086  }
0x25: {  	[simem:s6], [sflag:s4] =	dma.local [hbm:s3], $0xF7A  }
0x26: {  	[smem:$0x3F9A] =	sst s1;
	(tag) =	ssettag s2;
	_ =	strace s9  }
0x27: {  	s1 =	sld [smem:$0x3FAA]  }
0x28: {  	s2 =	sld [smem:$0x3FAB]  }
0x29: {  	s4 =	sld [smem:$0x3FAD]  }
0x2a: {  	p0 =	seq.s32 s5, $0x0;
	s5 =	sld [smem:$0x3FAE]  }
0x2b: {  	s6 =	sld [smem:$0x3FAF]  }
0x2c: {  	s7 =	sld [smem:$0x3FB0]  }
0x2d: {  	s3 =	simm.s32 $0x108;
	s8 =	sld [smem:$0x3FB1]  }
0x2e: {  	s3 =	simm.s32 @!p0 $0x1082;
	s9 =	sld [smem:$0x3FB2]  }
0x2f: {  	lr =	sadd.s32 s0, s3;
	s0 =	sld [smem:$0x3FA9]  }
0x30: {  	s3 =	sld [smem:$0x3FAC]  }
0x31: {  	[smem:$0x3FB5] =	sst s10  }
0x32: {  	s10 =	sld [smem:$0x3FB3];
	_ =	sdelay $0x3  }
0x33: {  	p0 =	seq.s32 s10, $0x1;
	s10 =	sld [smem:$0x3FB5];
	_ =	sdelay $0x3  }
0x34: {  	[smem:$0x3FB5] =	sst s10  }
0x35: {  	s10 =	sld [smem:$0x3FB4];
	_ =	sdelay $0x3  }
0x36: {  	p1 =	seq.s32 s10, $0x1;
	s10 =	sld [smem:$0x3FB5];
	_ =	sdelay $0x3  }
0x37: {  	[smem:$0x3FB5] =	sst s10  }
0x38: {  	s10 =	sld [smem:$0x3FB6]  }
0x39: {  	_ = 	snop;
	(pc) =	sbr.ind lr, $3  }
0x3a: {  	_ = 	snop  }
0x3b: {  	_ = 	snop  }
0x3c: {  	p2 =	seq.s32 s10, $0x1;
	s10 =	sld [smem:$0x3FB5]  }
0x3d: {  	_ =	shalt  }
0x3e: {  	_ =	shalt  }
0x3f: {  	_ =	shalt  }
0x40: {  	_ =	shalt  }
0x41: {  	_ =	shalt  }
0x42: {  	_ =	shalt  }
0x43: {  	_ =	shalt  }
0x44: {  	_ =	shalt  }
0x45: {  	_ =	shalt  }
0x46: {  	_ =	shalt  }
0x47: {  	_ =	shalt  }
0x48: {  	_ =	shalt  }
0x49: {  	_ =	shalt  }
0x4a: {  	_ =	shalt  }
0x4b: {  	_ =	shalt  }
0x4c: {  	_ =	shalt  }
0x4d: {  	_ =	shalt  }
0x4e: {  	_ =	shalt  }
0x4f: {  	_ =	shalt  }
0x50: {  	_ =	shalt  }
0x51: {  	_ =	shalt  }
0x52: {  	_ =	shalt  }
0x53: {  	_ =	shalt  }
0x54: {  	_ =	shalt  }
0x55: {  	_ =	shalt  }
0x56: {  	_ =	shalt  }
0x57: {  	_ =	shalt  }
0x58: {  	_ =	shalt  }
0x59: {  	_ =	shalt  }
0x5a: {  	_ =	shalt  }
0x5b: {  	_ =	shalt  }
0x5c: {  	_ =	shalt  }
0x5d: {  	_ =	shalt  }
0x5e: {  	_ =	shalt  }
0x5f: {  	_ =	shalt  }
0x60: {  	_ =	shalt  }
0x61: {  	_ =	shalt  }
0x62: {  	_ =	shalt  }
0x63: {  	_ =	shalt  }
0x64: {  	_ =	shalt  }
0x65: {  	_ =	shalt  }
0x66: {  	_ =	shalt  }
0x67: {  	_ =	shalt  }
0x68: {  	_ =	shalt  }
0x69: {  	_ =	shalt  }
0x6a: {  	_ =	shalt  }
0x6b: {  	_ =	shalt  }
0x6c: {  	_ =	shalt  }
0x6d: {  	_ =	shalt  }
0x6e: {  	_ =	shalt  }
0x6f: {  	_ =	shalt  }
0x70: {  	_ =	shalt  }
0x71: {  	_ =	shalt  }
0x72: {  	_ =	shalt  }
0x73: {  	_ =	shalt  }
0x74: {  	_ =	shalt  }
0x75: {  	_ =	shalt  }
0x76: {  	_ =	shalt  }
0x77: {  	_ =	shalt  }
0x78: {  	_ =	shalt  }
0x79: {  	_ =	shalt  }
0x7a: {  	_ =	shalt  }
0x7b: {  	_ =	shalt  }
0x7c: {  	_ =	shalt  }
0x7d: {  	_ =	shalt  }
0x7e: {  	_ =	shalt  }
0x7f: {  	_ =	shalt  }
0x80: {  	_ =	shalt  }
0x81: {  	_ =	shalt  }
0x82: {  	_ =	shalt  }
0x83: {  	_ =	shalt  }
0x84: {  	_ =	shalt  }
0x85: {  	_ =	shalt  }
0x86: {  	_ =	shalt  }
0x87: {  	_ =	shalt  }
.Lfunc_end0:
.L_simem_size_0:
called_computation_lowered:
.L_overlay_start_0:
0x88: {  	s2 =	sld [smem:$0x3FD9]  }
0x89: {  	s3 =	sld [smem:$0x3FFE];
	_ =	sdelay $0x1  }
0x8a: {  	s1 =	srdreg.scid  }
0x8b: {  	s0 =	sand.u32 $0x1, s1  }
0x8c: {  	s17 =	sshll.u32 s0, $0xA;
	s2 =	sadd.s32 s3, s2  }
0x8d: {  	s2 =	sadd.s32 s2, s17  }
0x8e: {  	[smem:$0x3FC1] =	sst s2  }
0x8f: {  	_ = 	snop  }
0x90: {  	s2 =	sld [smem:$0x3FC8]  }
0x91: {  	s18 =	sld [smem:$0x3FD0];
	(tm) =	ssettm $0x1  }
0x92: {  	s4 =	sld [smem:$0x3FFB];
	_ =	sdelay $0x3  }
0x93: {  	_ =	strace s4  }
0x94: {  	s4 =	sld [smem:$0x3FFC];
	_ =	sdelay $0x3  }
0x95: {  	_ =	strace s4  }
0x96: {  	s4 =	sld [smem:$0x3FFD];
	_ =	sdelay $0x3  }
0x97: {  	_ =	strace s4  }
0x98: {  	_ =	strace $0x8FFFFFFF  }
0x99: {  	s19 =	sld [smem:$0x3FDB];
	_ =	sdelay $0x1  }
0x9a: {  	s5 =	simm.s32 $_scs_section_size  }
0x9b: {  	s6 =	simm.s32 $_size__tile_overlayer_lowered;
	s7 =	simm.s32 $_tile_overlayer_lowered  }
0x9c: {  	s22 =	simm.s32 $0x1BFF;
	s21 =	sshll.u32 s7, $0x1;
	s4 =	sadd.s32 s5, s19  }
0x9d: {  	s8 =	simm.s32 $0x0;
	s20 =	sshll.u32 s6, $0x1;
	s6 =	sadd.s32 s21, s4  }
0x9e: {  	[timem:s8], [sflag:s22] =	dma.local [hbm:s6], s20  }
0x9f: {  	_ =	swait.ge [sflag:s22], s20  }
0xa0: {  	s5 =	ssub.s32 $0x0, s20;
	[sflag:s22] =	ssyncset.done $0x0  }
0xa1: {  	[sflag:s22] =	ssyncadd.s32 s5;
	_ =	sdelay $0x1  }
0xa2: {  	s23 =	simm.s32 $0x1B8B  }
0xa3: {  	_ =	swait.ge [sflag:s23], $0x1  }
0xa4: {  	[sflag:s23] =	ssyncset.done $0x0  }
0xa5: {  	s25 =	simm.s32 $0x1B8E;
	s24 =	sld [smem:$0x3FFE];
	[sflag:s23] =	ssyncadd.s32 $0xFFFFFFFF  }
0xa6: {  	s26 =	simm.s32 $execute0_lowered;
	[smem:$0x3FD2] =	sst s25  }
0xa7: {  	s6 =	sshll.u32 s26, $0x1;
	_ =	strace $0x80000046;
	[dreg:$0x1] =	wrdreg $0xFFFFFFFF  }
0xa8: {  	s28 =	simm.s32 $_size_execute0_lowered;
	s4 =	sadd.s32 s4, s6;
	[dreg:$0x0] =	wrdreg $0x0  }
0xa9: {  	s6 =	sshll.u32 s28, $0x1;
	[dreg:$0x2] =	wrdreg s4  }
0xaa: {  	[dreg:$0x3] =	wrdreg s6  }
0xab: {  	[dreg:$0x4] =	wrdreg $0xC0  }
0xac: {  	_ =	task [dreg:s8], $0x5FFFF  }
0xad: {  	[dreg:$0x1] =	wrdreg $0xFFFFFFFF  }
0xae: {  	[dreg:$0x0] =	wrdreg $0x60  }
0xaf: {  	[dreg:$0x2] =	wrdreg s2  }
0xb0: {  	[dreg:$0x3] =	wrdreg s18  }
0xb1: {  	[dreg:$0x4] =	wrdreg s24  }
0xb2: {  	[dreg:$0x5] =	wrdreg $0x9  }
0xb3: {  	_ =	task.clear_ibuf [dreg:s8], $0x6FFFF;
	_ =	strace $0x90000046  }
0xb4: {  	s29 =	simm.s32 $0x9;
	_ =	strace $0x80000048  }
0xb5: {  	_ =	swait.ge [sflag:s29], $0x1  }
0xb6: {  	[sflag:s29] =	ssyncadd.s32 $0xFFFFFFFF  }
0xb7: {  	_ =	strace $0x90000048  }
0xb8: {  	_ =	sfence  }
0xb9: {  	s30 =	sld [smem:$0x0];
	_ =	sdelay $0x2  }
0xba: {  	s31 =	sshll.u32 s1, $0xD;
	s1 =	sshrl.u32 s1, $0x2  }
0xbb: {  	s3 =	sand.u32 $0x4000, s31;
	s1 =	sadd.s32 s1, s30  }
0xbc: {  	s0 =	sor.u32 s3, s0;
	s1 =	sshll.u32 s1, $0x11  }
0xbd: {  	s0 =	sor.u32 s1, s0  }
0xbe: {  	s0 =	sadd.s32 $0x8F2B, s0  }
0xbf: {  	[sflag:s0] =	ssyncadd.remote.s32 $0x1  }
0xc0: {  	_ =	sfence.sel $0xFFFF  }
0xc1: {  	[dreg:$0x0] =	wrdreg $0xFFFFFFFF;
	(pc) =	sbr.abs _section_cstart, $3  }
0xc2: {  	[dreg:$0x1] =	wrdreg $0xFFFFFFFF  }
0xc3: {  	_ =	task.clear_ibuf [dreg:s8], $0x2FFFF;
	_ =	strace $0x9FFFFFFF  }
0xc4: {  	(tm) =	ssettm $0x7FFFFFFF  }
0xc5: {  	_ =	shalt  }
tec
execute0_lowered:
.L_overlay_start_1:
0x0: {  	(tag) =	ssettag $0x1  }
0x1: {  	s1 =	rddreg [dreg:$0x0]  }
0x2: {  	s0 =	srdreg.scid;
	s2 =	rddreg [dreg:$0x1]  }
0x3: {  	s8 =	stileid.u32;
	s4 =	rddreg [dreg:$0x2];
	s14 =	simm.s32 $0x80  }
0x4: {  	s15 =	simm.s32 $0x1C00;
	s16 =	simm.s32 $0x5C00;
	s28 =	simm.s32 $0x2  }
0x5: {  	s29 =	simm.s32 $0x8;
	s30 =	simm.s32 $0x3;
	s6 =	smul.u32 $0x32000, s8  }
0x6: {  	s0 =	sand.u32 $0x1, s0;
	s3 =	sshll.u32 s8, $0x1;
	s8 =	smul.u32 $0x190000, s8  }
0x7: {  	s31 =	simm.s32 $0x5;
	s5 =	sor.u32 s0, s3;
	s10 =	smul.u32 $0xC8000, s0  }
0x8: {  	s3 =	simm.s32 $0x0;
	s7 =	ssub.s32 $0x2, s0;
	s0 =	smul.u32 $0x19000, s0  }
0x9: {  	s4 =	sadd.s32 $0xE00, s4;
	s5 =	smul.u32 $0x380, s5;
	[smem:$0x7FF] =	sst s3  }
0xa: {  	s9 =	sshrl.u32 s7, $0x1;
	s18 =	sadd.s32 s6, s4;
	_ =	strace $0x80000047  }
0xb: {  	s7 =	ssub.s32 s7, s9;
	s19 =	sadd.s32 s10, s8;
	s6 =	sadd.s32 s0, s18  }
0xc: {  	s18 =	simm.s32 $0x9C00;
	s2 =	sadd.s32 s2, s5;
	s17 =	smax.u32 s7, $0x1  }
0xd: {  	s20 =	sadd.s32 $0x18000, s19;
	s21 =	sadd.s32 $0x14000, s19;
	s22 =	sadd.s32 $0xC000, s19  }
0xe: {  	s24 =	sadd.s32 $0x10000, s19;
	s25 =	sadd.s32 $0x8000, s19;
	[dreg:$0x4] =	wrdreg s2  }
0xf: {  	s5 =	sor.u32 $0x4000, s19;
	[dreg:$0x5] =	wrdreg s17;
	s0 =	sshrl.u32 s20, $0x3  }
0x10: {  	s2 =	sshrl.u32 s21, $0x3;
	s23 =	sshrl.u32 s22, $0x3;
	s26 =	sshrl.u32 s5, $0x3  }
.Ltmp0:
0x11: {  	s22 =	simm.s32 $0x11C00;
	s7 =	sadd.s32 s0, s4;
	(pc) =	sbr.rel .LBB2_1-.Ltmp0, $4  }
0x12: {  	s8 =	sadd.s32 s2, s4;
	s9 =	sadd.s32 s23, s4;
	s0 =	sshrl.u32 s24, $0x3  }
0x13: {  	s2 =	sshrl.u32 s25, $0x3;
	s12 =	sadd.s32 s26, s4;
	s25 =	simm.s32 $0x1  }
0x14: {  	s26 =	simm.s32 $0x19C00;
	s23 =	simm.s32 $0xE;
	s10 =	sadd.s32 s0, s4  }
0x15: {  	s11 =	sadd.s32 s2, s4;
	s2 =	simm.s32 $0x7;
	s4 =	simm.s32 $0x0  }
.LBB2_6:
0x16: {  	_ =	swait.ge [sflag:s29], $0x4000  }
0x17: {  	[sflag:s29] =	ssyncset.done $0x0  }
0x18: {  	s0 =	simm.s32 $0x9;
	[sflag:s29] =	ssyncadd.s32 $0xFFFFC000  }
0x19: {  	_ =	swait.ge [sflag:s0], $0x4000  }
0x1a: {  	[sflag:s0] =	ssyncset.done $0x0  }
0x1b: {  	s17 =	simm.s32 $0xA;
	[sflag:s0] =	ssyncadd.s32 $0xFFFFC000  }
0x1c: {  	_ =	swait.ge [sflag:s17], $0x4000  }
0x1d: {  	[sflag:s17] =	ssyncset.done $0x0  }
0x1e: {  	s19 =	simm.s32 $0xB;
	[sflag:s17] =	ssyncadd.s32 $0xFFFFC000  }
0x1f: {  	_ =	swait.ge [sflag:s19], $0x4000  }
0x20: {  	[sflag:s19] =	ssyncset.done $0x0  }
0x21: {  	s20 =	simm.s32 $0xC;
	[sflag:s19] =	ssyncadd.s32 $0xFFFFC000  }
0x22: {  	_ =	swait.ge [sflag:s20], $0x4000  }
0x23: {  	[sflag:s20] =	ssyncset.done $0x0  }
0x24: {  	s21 =	simm.s32 $0xD;
	[sflag:s20] =	ssyncadd.s32 $0xFFFFC000  }
0x25: {  	_ =	swait.ge [sflag:s21], $0x4000  }
0x26: {  	[sflag:s21] =	ssyncset.done $0x0  }
0x27: {  	[sflag:s21] =	ssyncadd.s32 $0xFFFFC000  }
0x28: {  	_ =	swait.ge [sflag:s23], $0x4000  }
0x29: {  	s4 =	rddreg [dreg:$0x6]  }
0x2a: {  	s24 =	rddreg [dreg:$0x5];
	s4 =	sadd.s32 $0x1, s4  }
0x2b: {  	p0 =	sne.s32 s4, s24  }
.Ltmp1:
0x2c: {  	_ = 	snop;
	(pc) =	sbr.rel @!p0 .LBB2_7-.Ltmp1, $3  }
0x2d: {  	_ =	sdelay $0x1  }
0x2e: {  	[sflag:s23] =	ssyncset.done $0x0  }
0x2f: {  	[sflag:s23] =	ssyncadd.s32 $0xFFFFC000  }
.LBB2_1:
0x30: {  	[dreg:$0x6] =	wrdreg s4  }
0x31: {  	s0 =	rddreg [dreg:$0x4];
	s5 =	simm.s32 $0xF  }
0x32: {  	[tilespmem:s3], [sflag:$0xF] =	stream.linear.gather [hbm4b:s0+s3], $0x1900, $0x38;
	[tilespmem:$0x1DC00] =	vst v63  }
0x33: {  	_ =	swait.ge [sflag:s5], $0x1900  }
0x34: {  	[sflag:s5] =	ssyncset.done $0x0  }
0x35: {  	[sflag:s5] =	ssyncadd.s32 $0xFFFFE700  }
0x36: {  	[tilespmem:s15], [sflag:$0x1] =	stream.indirect.gather [hbm4b:s1+s14], $0x80, s3, s14, $0xb8;
	[tilespmem:$0x1DC00] =	vst v63  }
0x37: {  	_ = 	snop  }
0x38: {  	[tilespmem:s16], [sflag:$0x2] =	stream.indirect.gather [hbm4b:s1+s14], $0x80, s14, s14, $0xb8;
	[tilespmem:$0x1DC00] =	vst v63  }
0x39: {  	s13 =	simm.s32 $0x100  }
0x3a: {  	[tilespmem:s18], [sflag:$0x3] =	stream.indirect.gather [hbm4b:s1+s14], $0x80, s13, s14, $0xb8;
	[tilespmem:$0x1DC00] =	vst v63  }
0x3b: {  	s17 =	simm.s32 $0x180;
	s19 =	simm.s32 $0xDC00  }
0x3c: {  	[tilespmem:s19], [sflag:$0x4] =	stream.indirect.gather [hbm4b:s1+s14], $0x80, s17, s14, $0xb8;
	[tilespmem:$0x1DC00] =	vst v63  }
.Ltmp2:
0x3d: {  	_ = 	snop;
	(pc) =	sbr.rel .LBB2_2-.Ltmp2, $4  }
0x3e: {  	s20 =	simm.s32 $0x200;
	s21 =	simm.s32 $0x280;
	s24 =	simm.s32 $0x15C00  }
0x3f: {  	[tilespmem:s22], [sflag:$0x5] =	stream.indirect.gather [hbm4b:s1+s14], $0x80, s20, s14, $0xb8;
	[tilespmem:$0x1DC00] =	vst v63  }
0x40: {  	s4 =	simm.s32 $0x300;
	s5 =	simm.s32 $0x0;
	s13 =	simm.s32 $0x0  }
0x41: {  	[tilespmem:s24], [sflag:$0x6] =	stream.indirect.gather [hbm4b:s1+s14], $0x80, s21, s14, $0xb8;
	[tilespmem:$0x1DC00] =	vst v63  }
.LBB2_5:
0x42: {  	[tilespmem:s26], [sflag:$0x7] =	stream.indirect.gather [hbm4b:s1+s14], $0x80, s0, s14, $0xb8;
	[tilespmem:$0x1DC00] =	vst v63  }
0x43: {  	_ =	swait.ge [sflag:s28], $0x4000  }
0x44: {  	[sflag:s28] =	ssyncset.done $0x0  }
0x45: {  	s19 =	sadd.s32 s5, s12;
	[sflag:s28] =	ssyncadd.s32 $0xFFFFC000  }
0x46: {  	[hbm4b:s19+s3] =	stream.linear.scatter [tilespmem:s16], [sflag:$0x9], $0x4000, $0x38;
	[tilespmem:$0x1DC00] =	vst v63  }
0x47: {  	_ =	swait.ge [sflag:s29], $0x4000  }
0x48: {  	[sflag:s29] =	ssyncset.done $0x0  }
0x49: {  	s20 =	sadd.s32 $0x80, s4;
	[sflag:s29] =	ssyncadd.s32 $0xFFFFC000  }
0x4a: {  	[tilespmem:s15], [sflag:$0x1] =	stream.indirect.gather [hbm4b:s1+s14], $0x80, s20, s14, $0xb8;
	[tilespmem:$0x1DC00] =	vst v63  }
0x4b: {  	_ =	swait.ge [sflag:s30], $0x4000  }
0x4c: {  	p0 =	sgt.u32 s13, $0x5;
	[sflag:s30] =	ssyncset.done $0x0  }
0x4d: {  	s21 =	sadd.s32 s5, s11;
	s0 =	simm.s32 @p0 $0x4;
	[sflag:s30] =	ssyncadd.s32 $0xFFFFC000  }
0x4e: {  	[hbm4b:s21+s3] =	stream.linear.scatter [tilespmem:s18], [sflag:$0xA], $0x4000, $0x38;
	[tilespmem:$0x1DC00] =	vst v63  }
0x4f: {  	_ =	swait.ge @p0 [sflag:s0], $0x4000  }
0x50: {  	s17 =	simm.s32 @p0 $0x0;
	[sflag:s0] =	ssyncset.done @p0 $0x0  }
0x51: {  	s19 =	simm.s32 @p0 $0xDC00;
	[sflag:s0] =	ssyncadd.s32 @p0 $0xFFFFC000;
	s0 =	sadd.s32 @p0 s5, s9  }
0x52: {  	[hbm4b:s0+s17] =	stream.linear.scatter @p0 [tilespmem:s19], [sflag:$0xB], $0x4000, $0x38;
	[tilespmem:$0x1DC00] =	vst v63  }
0x53: {  	s0 =	simm.s32 @!p0 $0x9  }
0x54: {  	_ =	swait.ge @!p0 [sflag:s0], $0x4000  }
0x55: {  	s20 =	simm.s32 @!p0 $0x5C00;
	[sflag:s0] =	ssyncset.done @!p0 $0x0  }
0x56: {  	s19 =	simm.s32 @!p0 $0x80;
	[sflag:s0] =	ssyncadd.s32 @!p0 $0xFFFFC000;
	s0 =	sadd.s32 @!p0 $0x100, s4  }
0x57: {  	[tilespmem:s20], [sflag:$0x2] =	stream.indirect.gather @!p0 [hbm4b:s1+s19], $0x80, s0, s19, $0xb8;
	[tilespmem:$0x1DC00] =	vst v63  }
0x58: {  	s0 =	simm.s32 @!p0 $0x4  }
0x59: {  	_ =	swait.ge @!p0 [sflag:s0], $0x4000  }
0x5a: {  	s21 =	simm.s32 @!p0 $0xDC00;
	[sflag:s0] =	ssyncset.done @!p0 $0x0  }
0x5b: {  	s20 =	simm.s32 @!p0 $0x0;
	[sflag:s0] =	ssyncadd.s32 @!p0 $0xFFFFC000;
	s0 =	sadd.s32 @!p0 s5, s9  }
0x5c: {  	[hbm4b:s0+s20] =	stream.linear.scatter @!p0 [tilespmem:s21], [sflag:$0xB], $0x4000, $0x38;
	[tilespmem:$0x1DC00] =	vst v63  }
0x5d: {  	s0 =	simm.s32 @!p0 $0xA  }
0x5e: {  	_ =	swait.ge @!p0 [sflag:s0], $0x4000  }
0x5f: {  	[sflag:s0] =	ssyncset.done @!p0 $0x0  }
0x60: {  	s24 =	simm.s32 @!p0 $0x9C00;
	[sflag:s0] =	ssyncadd.s32 @!p0 $0xFFFFC000;
	s0 =	sadd.s32 @!p0 $0x180, s4  }
0x61: {  	[tilespmem:s24], [sflag:$0x3] =	stream.indirect.gather @!p0 [hbm4b:s1+s19], $0x80, s0, s19, $0xb8;
	[tilespmem:$0x1DC00] =	vst v63  }
0x62: {  	_ =	swait.ge [sflag:s31], $0x4000  }
0x63: {  	[sflag:s31] =	ssyncset.done $0x0  }
0x64: {  	s24 =	sadd.s32 s5, s10;
	s0 =	simm.s32 @p0 $0x6;
	[sflag:s31] =	ssyncadd.s32 $0xFFFFC000  }
0x65: {  	[hbm4b:s24+s3] =	stream.linear.scatter [tilespmem:s22], [sflag:$0xC], $0x4000, $0x38;
	[tilespmem:$0x1DC00] =	vst v63  }
0x66: {  	_ =	swait.ge @p0 [sflag:s0], $0x4000  }
0x67: {  	[sflag:s0] =	ssyncset.done @p0 $0x0  }
0x68: {  	s24 =	simm.s32 @p0 $0x15C00;
	[sflag:s0] =	ssyncadd.s32 @p0 $0xFFFFC000;
	s0 =	sadd.s32 @p0 s5, s8  }
0x69: {  	[hbm4b:s0+s17] =	stream.linear.scatter @p0 [tilespmem:s24], [sflag:$0xD], $0x4000, $0x38;
	[tilespmem:$0x1DC00] =	vst v63  }
0x6a: {  	s0 =	simm.s32 @!p0 $0xB  }
0x6b: {  	_ =	swait.ge @!p0 [sflag:s0], $0x4000  }
0x6c: {  	[sflag:s0] =	ssyncset.done @!p0 $0x0  }
0x6d: {  	[sflag:s0] =	ssyncadd.s32 @!p0 $0xFFFFC000;
	s0 =	sadd.s32 @!p0 $0x200, s4  }
0x6e: {  	[tilespmem:s21], [sflag:$0x4] =	stream.indirect.gather @!p0 [hbm4b:s1+s19], $0x80, s0, s19, $0xb8;
	[tilespmem:$0x1DC00] =	vst v63  }
0x6f: {  	s0 =	simm.s32 @!p0 $0x6  }
0x70: {  	_ =	swait.ge @!p0 [sflag:s0], $0x4000  }
0x71: {  	[sflag:s0] =	ssyncset.done @!p0 $0x0  }
0x72: {  	s17 =	simm.s32 @!p0 $0x15C00;
	[sflag:s0] =	ssyncadd.s32 @!p0 $0xFFFFC000;
	s0 =	sadd.s32 @!p0 s5, s8  }
0x73: {  	[hbm4b:s0+s20] =	stream.linear.scatter @!p0 [tilespmem:s17], [sflag:$0xD], $0x4000, $0x38;
	[tilespmem:$0x1DC00] =	vst v63  }
0x74: {  	s0 =	simm.s32 @!p0 $0xC  }
0x75: {  	_ =	swait.ge @!p0 [sflag:s0], $0x4000  }
0x76: {  	[sflag:s0] =	ssyncset.done @!p0 $0x0  }
0x77: {  	s20 =	simm.s32 @!p0 $0x11C00;
	[sflag:s0] =	ssyncadd.s32 @!p0 $0xFFFFC000;
	s0 =	sadd.s32 @!p0 $0x280, s4  }
0x78: {  	[tilespmem:s20], [sflag:$0x5] =	stream.indirect.gather @!p0 [hbm4b:s1+s19], $0x80, s0, s19, $0xb8;
	[tilespmem:$0x1DC00] =	vst v63  }
0x79: {  	_ =	swait.ge [sflag:s2], $0x4000  }
0x7a: {  	[sflag:s2] =	ssyncset.done $0x0  }
0x7b: {  	s24 =	sadd.s32 s5, s7;
	s0 =	simm.s32 @!p0 $0xD;
	[sflag:s2] =	ssyncadd.s32 $0xFFFFC000  }
0x7c: {  	[hbm4b:s24+s3] =	stream.linear.scatter [tilespmem:s26], [sflag:$0xE], $0x4000, $0x38;
	[tilespmem:$0x1DC00] =	vst v63  }
0x7d: {  	_ =	swait.ge @!p0 [sflag:s0], $0x4000  }
0x7e: {  	[sflag:s0] =	ssyncset.done @!p0 $0x0  }
0x7f: {  	s5 =	sadd.s32 $0x3800, s5;
	[sflag:s0] =	ssyncadd.s32 @!p0 $0xFFFFC000;
	s0 =	sadd.s32 @!p0 $0x300, s4  }
0x80: {  	[tilespmem:s17], [sflag:$0x6] =	stream.indirect.gather @!p0 [hbm4b:s1+s19], $0x80, s0, s19, $0xb8;
	[tilespmem:$0x1DC00] =	vst v63  }
0x81: {  	p0 =	sne.s32 s5, $0x1C000  }
.Ltmp3:
0x82: {  	_ = 	snop;
	(pc) =	sbr.rel @!p0 .LBB2_6-.Ltmp3, $2  }
0x83: {  	_ =	sdelay $0x2  }
0x84: {  	s13 =	sadd.s32 $0x1, s13;
	s4 =	sadd.s32 $0x380, s4  }
.LBB2_2:
0x85: {  	p0 =	seq.s32 s13, $0x0  }
.Ltmp4:
0x86: {  	_ =	swait.ge [sflag:s25], $0x4000;
	(pc) =	sbr.rel @p0 .LBB2_5-.Ltmp4, $4  }
0x87: {  	[sflag:s25] =	ssyncset.done $0x0  }
0x88: {  	s0 =	sadd.s32 s5, s6;
	[sflag:s25] =	ssyncadd.s32 $0xFFFFC000  }
0x89: {  	[hbm4b:s0+s3] =	stream.linear.scatter [tilespmem:s15], [sflag:$0x8], $0x4000, $0x38;
	[tilespmem:$0x1DC00] =	vst v63  }
0x8a: {  	s0 =	simm.s32 $0x300  }
0x8b: {  	p0 =	seq.s32 s13, $0x7  }
.Ltmp5:
0x8c: {  	_ = 	snop;
	(pc) =	sbr.rel @p0 .LBB2_6-.Ltmp5, $1  }
0x8d: {  	_ =	sdelay $0x3  }
.Ltmp6:
0x8e: {  	(pc) =	sbr.rel .LBB2_5-.Ltmp6, $4  }
0x8f: {  	_ = 	snop  }
0x90: {  	_ =	swait.ge [sflag:s23], $0x4000  }
0x91: {  	[sflag:s23] =	ssyncset.done $0x0  }
0x92: {  	s0 =	smov.u32 s4;
	[sflag:s23] =	ssyncadd.s32 $0xFFFFC000  }
.LBB2_7:
0x93: {  	_ =	sfence.sel $0x180000  }
0x94: {  	[bflag:$0x0] =	sbarrier.arrive $0xFFFF  }
0x95: {  	_ =	strace $0x90000047  }
0x96: {  	s0 =	stileid.u32;
	[bflag:$0x2] =	sbarrier.arrive $0xFFFF  }
0x97: {  	p0 =	sne.s32 s0, $0x0;
	s0 =	rddreg [dreg:$0x3]  }
0x98: {  	s0 =	sadd.s32 @!p0 $0x100000, s0  }
0x99: {  	[sflag:s0] =	ssyncadd.tile.s32 @!p0 $0x1;
	_ =	shalt  }
.Lfunc_end2:
_tile_overlayer_lowered:
.L_overlay_start_2:
0x9a: {  	(tag) =	ssettag $0x2  }
0x9b: {  	s0 =	rddreg [dreg:$0x0];
	s2 =	stileid.u32  }
0x9c: {  	s1 =	rddreg [dreg:$0x1];
	p0 =	sne.s32 s2, $0x0  }
0x9d: {  	s3 =	rddreg [dreg:$0x2];
	[bflag:$0x3] =	sbarrier.arrive $0xFFFF;
	s2 =	simm.s32 @!p0 $0x1C0F  }
0x9e: {  	[timem:s3], [sflag:s2] =	dma.local @!p0 [hbm:s0], s1  }
0x9f: {  	s0 =	simm.s32 @!p0 $0xF  }
0xa0: {  	_ =	swait.ge @!p0 [sflag:s0], s1  }
0xa1: {  	s1 =	ssub.s32 @!p0 $0x0, s1;
	[sflag:s0] =	ssyncset.done @!p0 $0x0  }
0xa2: {  	[sflag:s0] =	ssyncadd.s32 @!p0 s1  }
0xa3: {  	[bflag:$0x3] =	sbarrier.arrive $0xFFFF  }
0xa4: {  	_ =	shalt  }

</sc_bundles>
